<compile_context>
chip_gen: v7x
topology: tpu7x:2x2x1
jax: 0.10.2.dev20260603
libtpu: 0.0.44.dev20260713+nightly
codegen_flags: <defaults>
</compile_context>

<pallas_src>
import functools
import jax
import jax.numpy as jnp
from jax import lax
from jax.experimental import pallas as pl
from jax.experimental.pallas import tpu as pltpu
from jax.experimental.pallas import tpu_sc as plsc

B, C, H, W_SP, E, K = 4, 64, 128, 128, 64, 8
S = H * W_SP
T = B * S
TBLK = 2048
NS = S // TBLK

_SC_INFO = plsc.get_sparse_core_info()
NW = _SC_INFO.num_cores * _SC_INFO.num_subcores
L = _SC_INFO.num_lanes
TOK_W = T // NW
TCH = 128
NCH = TOK_W // TCH


def _router_body(x_ref, w_ref, b_ref, logits_ref, weights_ref, idx_ref,
                 idxt_ref):
    xb = x_ref[0]
    l = jnp.dot(w_ref[...], xb, preferred_element_type=jnp.float32)
    l = l + b_ref[...]
    logits_ref[0] = l

    m = jnp.max(l, axis=0, keepdims=True)
    e = jnp.exp(l - m)
    z = jnp.sum(e, axis=0, keepdims=True)
    p = e / z

    ii = lax.broadcasted_iota(jnp.int32, (C, TBLK), 0)
    vals, idxs = [], []
    cur = p
    for _ in range(K):
        mk = jnp.max(cur, axis=0, keepdims=True)
        sel = cur == mk
        ik = jnp.min(jnp.where(sel, ii, C), axis=0, keepdims=True)
        vals.append(mk)
        idxs.append(ik)
        cur = jnp.where(ii == ik, -1.0, cur)

    wv = jnp.concatenate(vals, axis=0)
    iv = jnp.concatenate(idxs, axis=0)
    weights_ref[0] = wv / jnp.sum(wv, axis=0, keepdims=True)
    idx_ref[0] = iv
    idxt_ref[...] = iv


def _tc_router(xr, W, br):
    return pl.pallas_call(
        _router_body,
        grid=(B, NS),
        in_specs=[
            pl.BlockSpec((1, C, TBLK), lambda bb, s: (bb, 0, s)),
            pl.BlockSpec((C, C), lambda bb, s: (0, 0)),
            pl.BlockSpec((C, 1), lambda bb, s: (0, 0)),
        ],
        out_specs=[
            pl.BlockSpec((1, C, TBLK), lambda bb, s: (bb, 0, s)),
            pl.BlockSpec((1, K, TBLK), lambda bb, s: (bb, 0, s)),
            pl.BlockSpec((1, K, TBLK), lambda bb, s: (bb, 0, s)),
            pl.BlockSpec((K, TBLK), lambda bb, s: (0, bb * NS + s)),
        ],
        out_shape=[
            jax.ShapeDtypeStruct((B, C, S), jnp.float32),
            jax.ShapeDtypeStruct((B, K, S), jnp.float32),
            jax.ShapeDtypeStruct((B, K, S), jnp.int32),
            jax.ShapeDtypeStruct((K, T), jnp.int32),
        ],
    )(xr, W, br)


def _mask_body(idxt_hbm, mask_hbm, idx_v, blk_v):
    wid = lax.axis_index("s") * _SC_INFO.num_cores + lax.axis_index("c")
    base = wid * TOK_W
    lanes = lax.iota(jnp.int32, L)
    ones = jnp.ones((L,), jnp.int32)
    zeros = jnp.zeros((L,), jnp.int32)

    def _zero(i, carry):
        row = i >> 3
        j = i & 7
        blk_v[row, pl.ds(j * L, L)] = zeros
        return carry

    lax.fori_loop(0, (E * K) * (TCH // L), _zero, 0)

    def _chunk(c, carry):
        t0 = base + c * TCH
        pltpu.sync_copy(idxt_hbm.at[:, pl.ds(t0, TCH)], idx_v)
        for k in range(K):
            for j in range(TCH // L):
                ev = idx_v[k, pl.ds(j * L, L)]
                row = ev * K + k
                col = lanes + (j * L)
                plsc.store_scatter(blk_v, [row, col], ones)
        pltpu.sync_copy(blk_v, mask_hbm.at[:, pl.ds(t0, TCH)])
        for k in range(K):
            for j in range(TCH // L):
                ev = idx_v[k, pl.ds(j * L, L)]
                row = ev * K + k
                col = lanes + (j * L)
                plsc.store_scatter(blk_v, [row, col], zeros)
        return carry

    lax.fori_loop(0, NCH, _chunk, 0)


def _sc_mask(idxt):
    mesh = plsc.VectorSubcoreMesh(core_axis_name="c", subcore_axis_name="s")
    f = functools.partial(
        pl.kernel,
        out_type=jax.ShapeDtypeStruct((E * K, T), jnp.int32),
        mesh=mesh,
        compiler_params=pltpu.CompilerParams(needs_layout_passes=False),
        scratch_types=[
            pltpu.VMEM((K, TCH), jnp.int32),
            pltpu.VMEM((E * K, TCH), jnp.int32),
        ],
    )(_mask_body)
    return f(idxt)


def kernel(x, W, b):
    xr = x.reshape(B, C, S)
    br = b.reshape(C, 1)
    logits, weights, idx, idxt = _tc_router(xr, W, br)
    mask = _sc_mask(idxt)
    return (
        logits.reshape(B, C, H, W_SP),
        weights.reshape(B, K, H, W_SP),
        idx.reshape(B, K, H, W_SP),
        mask.reshape(E, K, T),
    )

# --- scband reference (transcript-rebuilt; emitter-appended) ---
"""Pipeline reference for scband-moerouter-35845797053214 (READ-ONLY COPY).

The authoritative reference and input builder live on the scoring server;
editing this copy changes nothing except your own understanding.
"""

import jax, jax.numpy as jnp
import numpy as np

B, C, H, W_SP, E, K = 4, 64, 128, 128, 64, 8


def setup_inputs(seed: int = 0) -> dict:
    key = jax.random.key(seed)
    k1, k2, k3 = jax.random.split(key, 3)
    x = jax.random.normal(k1, (B, C, H, W_SP), dtype=jnp.float32)
    # 1x1 conv gate: weight [out_ch, in_ch], bias [out_ch]
    W = jax.random.normal(k2, (C, C), dtype=jnp.float32) * (1.0 / np.sqrt(C))
    b = jax.random.normal(k3, (C,), dtype=jnp.float32) * 0.01
    return {"x": x, "W": W, "b": b}


def reference(x, W, b):
    # gate = Conv2d(in_channel, in_channel, kernel_size=1)
    router_logits = jnp.einsum('bchw,oc->bohw', x, W) + b[None, :, None, None]
    # softmax over channel dim in float32
    router_probs = jax.nn.softmax(router_logits.astype(jnp.float32), axis=1)
    # topk over dim=1: move channel axis last for lax.top_k
    probs_t = jnp.moveaxis(router_probs, 1, -1)  # [B, H, W, C]
    w_t, idx_t = jax.lax.top_k(probs_t, K)       # [B, H, W, K]
    router_weights = jnp.moveaxis(w_t, -1, 1)    # [B, K, H, W]
    select_expert_indices = jnp.moveaxis(idx_t, -1, 1)  # [B, K, H, W]
    router_weights = router_weights / jnp.sum(router_weights, axis=1, keepdims=True)
    router_weights = router_weights.astype(x.dtype)
    # one_hot -> [B, K, H, W, E]; permute(4,1,0,2,3) -> [E, K, B, H, W]; flatten(2)
    expert_mask = jax.nn.one_hot(select_expert_indices, E, dtype=jnp.int32)
    expert_mask = jnp.transpose(expert_mask, (4, 1, 0, 2, 3)).reshape(E, K, -1)
    return (router_logits, router_weights, select_expert_indices, expert_mask)

if __name__ == "__main__":
    import jax
    _d = setup_inputs()
    print(jax.jit(kernel)(*tuple(_d.values())))

</pallas_src>

<mosaic_0001>
#map = affine_map<(d0, d1) -> (0, 0)>
module attributes {stable_mosaic.version = 14 : i64} {
  func.func @_mask_body(%arg0: i32, %arg1: i32, %arg2: memref<8x65536xi32, #tpu.memory_space<hbm>>, %arg3: memref<512x65536xi32, #tpu.memory_space<hbm>>, %arg4: memref<8x128xi32, #tpu.memory_space<vmem>>, %arg5: memref<512x128xi32, #tpu.memory_space<vmem>>) attributes {dimension_semantics = [#tpu.dimension_semantics<core_parallel>, #tpu.dimension_semantics<subcore_parallel>], iteration_bounds = array<i64: 2, 16>, scalar_prefetch = 0 : i64, scratch_operands = 2 : i64, tpu.core_type = #tpu.core_type<sc_vector_subcore>, window_params = [{transform_indices = #map}, {transform_indices = #map}]} {
    %mul3A = arith.constant 2 : i32
    %mul3A_0 = arith.muli %arg1, %mul3A : i32
    %add3A = arith.addi %mul3A_0, %arg0 : i32
    %mul3A_1 = arith.constant 2048 : i32
    %mul3A_2 = arith.muli %add3A, %mul3A_1 : i32
    %iota3A = tpu.iota {dimensions = array<i32: 0>} : vector<16xi32>
    %broadcast_in_dim3A = arith.constant 1 : i32
    %broadcast_in_dim3A_3 = vector.broadcast %broadcast_in_dim3A : i32 to vector<16xi32>
    %broadcast_in_dim3A_4 = arith.constant 0 : i32
    %broadcast_in_dim3A_5 = vector.broadcast %broadcast_in_dim3A_4 : i32 to vector<16xi32>
    %scan3A = arith.constant 0 : i32
    %scan3A_6 = arith.constant 0 : i32
    %scan3A_7 = arith.constant 4096 : i32
    %scan3A_8 = arith.addi %scan3A_6, %scan3A_7 : i32
    %scan3A_9 = arith.constant 1 : i32
    scf.for %scan3A_17 = %scan3A_6 to %scan3A_8 step %scan3A_9  : i32 {
      %shift_right_arithmetic3A = arith.constant 3 : i32
      %shift_right_arithmetic3A_18 = arith.shrsi %scan3A_17, %shift_right_arithmetic3A : i32
      %and3A = arith.constant 7 : i32
      %and3A_19 = arith.andi %scan3A_17, %and3A : i32
      %mul3A_20 = arith.constant 16 : i32
      %mul3A_21 = arith.muli %and3A_19, %mul3A_20 : i32
      %swap3A = arith.index_cast %shift_right_arithmetic3A_18 : i32 to index
      %swap3A_22 = arith.index_cast %mul3A_21 : i32 to index
      %swap3A_23 = tpu.vector_load %arg5[%swap3A, %swap3A_22] {strides = array<i32>} : memref<512x128xi32, #tpu.memory_space<vmem>>, vector<16xi32>,
      tpu.vector_store %arg5[%swap3A, %swap3A_22], %broadcast_in_dim3A_5 {strides = array<i32>} : memref<512x128xi32, #tpu.memory_space<vmem>>, vector<16xi32>,
    }
    %scan3A_10 = arith.constant 4096 : i32
    %scan3A_11 = arith.constant 0 : i32
    %scan3A_12 = arith.constant 0 : i32
    %scan3A_13 = arith.constant 16 : i32
    %scan3A_14 = arith.addi %scan3A_12, %scan3A_13 : i32
    %scan3A_15 = arith.constant 1 : i32
    scf.for %scan3A_17 = %scan3A_12 to %scan3A_14 step %scan3A_15  : i32 {
      %mul3A_18 = arith.constant 128 : i32
      %mul3A_19 = arith.muli %scan3A_17, %mul3A_18 : i32
      %add3A_20 = arith.addi %mul3A_2, %mul3A_19 : i32
      "tpu.region"() ({
        %run_scoped3A = tpu.sem_alloc : memref<!tpu.dma_semaphore, #tpu.memory_space<semaphore_mem>>
        %dma_start3A = arith.constant 0 : i32
        %dma_start3A_1684 = tpu.memref_slice %arg2[%dma_start3A, %add3A_20] : memref<8x65536xi32, #tpu.memory_space<hbm>> -> memref<8x128xi32, #tpu.memory_space<hbm>>
        %dma_start3A_1685 = arith.constant 0 : i32
        %dma_start3A_1686 = tpu.memref_slice %arg2[%dma_start3A_1685, %add3A_20] : memref<8x65536xi32, #tpu.memory_space<hbm>> -> memref<8x128xi32, #tpu.memory_space<hbm>>
        tpu.enqueue_dma source(%dma_start3A_1686 : memref<8x128xi32, #tpu.memory_space<hbm>>) target(%arg4 : memref<8x128xi32, #tpu.memory_space<vmem>>) target_semaphore(%run_scoped3A : memref<!tpu.dma_semaphore, #tpu.memory_space<semaphore_mem>>)
        %dma_wait3A = arith.constant 0 : i32
        %dma_wait3A_1687 = tpu.memref_slice %arg2[%dma_wait3A, %add3A_20] : memref<8x65536xi32, #tpu.memory_space<hbm>> -> memref<8x128xi32, #tpu.memory_space<hbm>>
        %dma_wait3A_1688 = arith.constant 0 : i32
        %dma_wait3A_1689 = tpu.memref_slice %arg2[%dma_wait3A_1688, %add3A_20] : memref<8x65536xi32, #tpu.memory_space<hbm>> -> memref<8x128xi32, #tpu.memory_space<hbm>>
        tpu.wait_dma2 semaphore(%run_scoped3A : memref<!tpu.dma_semaphore, #tpu.memory_space<semaphore_mem>>) src(%dma_wait3A_1689 : memref<8x128xi32, #tpu.memory_space<hbm>>) dst(%arg4 : memref<8x128xi32, #tpu.memory_space<vmem>>)
        tpu.yield
      }) : () -> ()
      %get3A = arith.constant 0 : i32
      %get3A_21 = arith.index_cast %get3A : i32 to index
      %get3A_22 = arith.constant 0 : index
      %get3A_23 = tpu.vector_load %arg4[%get3A_21, %get3A_22] {strides = array<i32>} : memref<8x128xi32, #tpu.memory_space<vmem>>, vector<16xi32>,
      %mul3A_24 = arith.constant 8 : i32
      %mul3A_25 = vector.broadcast %mul3A_24 : i32 to vector<16xi32>
      %mul3A_26 = arith.muli %get3A_23, %mul3A_25 : vector<16xi32>
      %add3A_27 = arith.constant 0 : i32
      %add3A_28 = vector.broadcast %add3A_27 : i32 to vector<16xi32>
      %add3A_29 = arith.addi %mul3A_26, %add3A_28 : vector<16xi32>
      %add3A_30 = arith.constant 0 : i32
      %add3A_31 = vector.broadcast %add3A_30 : i32 to vector<16xi32>
      %add3A_32 = arith.addi %iota3A, %add3A_31 : vector<16xi32>
      tpu.vector_store_idx %arg5[%add3A_29, %add3A_32], %broadcast_in_dim3A_3 : memref<512x128xi32, #tpu.memory_space<vmem>>[vector<16xi32>, vector<16xi32>], vector<16xi32>,
      %get3A_33 = arith.constant 0 : i32
      %get3A_34 = arith.index_cast %get3A_33 : i32 to index
      %get3A_35 = arith.constant 16 : index
      %get3A_36 = tpu.vector_load %arg4[%get3A_34, %get3A_35] {strides = array<i32>} : memref<8x128xi32, #tpu.memory_space<vmem>>, vector<16xi32>,
      %mul3A_37 = arith.constant 8 : i32
      %mul3A_38 = vector.broadcast %mul3A_37 : i32 to vector<16xi32>
      %mul3A_39 = arith.muli %get3A_36, %mul3A_38 : vector<16xi32>
      %add3A_40 = arith.constant 0 : i32
      %add3A_41 = vector.broadcast %add3A_40 : i32 to vector<16xi32>
      %add3A_42 = arith.addi %mul3A_39, %add3A_41 : vector<16xi32>
      %add3A_43 = arith.constant 16 : i32
      %add3A_44 = vector.broadcast %add3A_43 : i32 to vector<16xi32>
      %add3A_45 = arith.addi %iota3A, %add3A_44 : vector<16xi32>
      tpu.vector_store_idx %arg5[%add3A_42, %add3A_45], %broadcast_in_dim3A_3 : memref<512x128xi32, #tpu.memory_space<vmem>>[vector<16xi32>, vector<16xi32>], vector<16xi32>,
      %get3A_46 = arith.constant 0 : i32
      %get3A_47 = arith.index_cast %get3A_46 : i32 to index
      %get3A_48 = arith.constant 32 : index
      %get3A_49 = tpu.vector_load %arg4[%get3A_47, %get3A_48] {strides = array<i32>} : memref<8x128xi32, #tpu.memory_space<vmem>>, vector<16xi32>,
      %mul3A_50 = arith.constant 8 : i32
      %mul3A_51 = vector.broadcast %mul3A_50 : i32 to vector<16xi32>
      %mul3A_52 = arith.muli %get3A_49, %mul3A_51 : vector<16xi32>
      %add3A_53 = arith.constant 0 : i32
      %add3A_54 = vector.broadcast %add3A_53 : i32 to vector<16xi32>
      %add3A_55 = arith.addi %mul3A_52, %add3A_54 : vector<16xi32>
      %add3A_56 = arith.constant 32 : i32
      %add3A_57 = vector.broadcast %add3A_56 : i32 to vector<16xi32>
      %add3A_58 = arith.addi %iota3A, %add3A_57 : vector<16xi32>
      tpu.vector_store_idx %arg5[%add3A_55, %add3A_58], %broadcast_in_dim3A_3 : memref<512x128xi32, #tpu.memory_space<vmem>>[vector<16xi32>, vector<16xi32>], vector<16xi32>,
      %get3A_59 = arith.constant 0 : i32
      %get3A_60 = arith.index_cast %get3A_59 : i32 to index
      %get3A_61 = arith.constant 48 : index
      %get3A_62 = tpu.vector_load %arg4[%get3A_60, %get3A_61] {strides = array<i32>} : memref<8x128xi32, #tpu.memory_space<vmem>>, vector<16xi32>,
      %mul3A_63 = arith.constant 8 : i32
      %mul3A_64 = vector.broadcast %mul3A_63 : i32 to vector<16xi32>
      %mul3A_65 = arith.muli %get3A_62, %mul3A_64 : vector<16xi32>
      %add3A_66 = arith.constant 0 : i32
      %add3A_67 = vector.broadcast %add3A_66 : i32 to vector<16xi32>
      %add3A_68 = arith.addi %mul3A_65, %add3A_67 : vector<16xi32>
      %add3A_69 = arith.constant 48 : i32
      %add3A_70 = vector.broadcast %add3A_69 : i32 to vector<16xi32>
      %add3A_71 = arith.addi %iota3A, %add3A_70 : vector<16xi32>
      tpu.vector_store_idx %arg5[%add3A_68, %add3A_71], %broadcast_in_dim3A_3 : memref<512x128xi32, #tpu.memory_space<vmem>>[vector<16xi32>, vector<16xi32>], vector<16xi32>,
      %get3A_72 = arith.constant 0 : i32
      %get3A_73 = arith.index_cast %get3A_72 : i32 to index
      %get3A_74 = arith.constant 64 : index
      %get3A_75 = tpu.vector_load %arg4[%get3A_73, %get3A_74] {strides = array<i32>} : memref<8x128xi32, #tpu.memory_space<vmem>>, vector<16xi32>,
      %mul3A_76 = arith.constant 8 : i32
      %mul3A_77 = vector.broadcast %mul3A_76 : i32 to vector<16xi32>
      %mul3A_78 = arith.muli %get3A_75, %mul3A_77 : vector<16xi32>
      %add3A_79 = arith.constant 0 : i32
      %add3A_80 = vector.broadcast %add3A_79 : i32 to vector<16xi32>
      %add3A_81 = arith.addi %mul3A_78, %add3A_80 : vector<16xi32>
      %add3A_82 = arith.constant 64 : i32
      %add3A_83 = vector.broadcast %add3A_82 : i32 to vector<16xi32>
      %add3A_84 = arith.addi %iota3A, %add3A_83 : vector<16xi32>
      tpu.vector_store_idx %arg5[%add3A_81, %add3A_84], %broadcast_in_dim3A_3 : memref<512x128xi32, #tpu.memory_space<vmem>>[vector<16xi32>, vector<16xi32>], vector<16xi32>,
      %get3A_85 = arith.constant 0 : i32
      %get3A_86 = arith.index_cast %get3A_85 : i32 to index
      %get3A_87 = arith.constant 80 : index
      %get3A_88 = tpu.vector_load %arg4[%get3A_86, %get3A_87] {strides = array<i32>} : memref<8x128xi32, #tpu.memory_space<vmem>>, vector<16xi32>,
      %mul3A_89 = arith.constant 8 : i32
      %mul3A_90 = vector.broadcast %mul3A_89 : i32 to vector<16xi32>
      %mul3A_91 = arith.muli %get3A_88, %mul3A_90 : vector<16xi32>
      %add3A_92 = arith.constant 0 : i32
      %add3A_93 = vector.broadcast %add3A_92 : i32 to vector<16xi32>
      %add3A_94 = arith.addi %mul3A_91, %add3A_93 : vector<16xi32>
      %add3A_95 = arith.constant 80 : i32
      %add3A_96 = vector.broadcast %add3A_95 : i32 to vector<16xi32>
      %add3A_97 = arith.addi %iota3A, %add3A_96 : vector<16xi32>
      tpu.vector_store_idx %arg5[%add3A_94, %add3A_97], %broadcast_in_dim3A_3 : memref<512x128xi32, #tpu.memory_space<vmem>>[vector<16xi32>, vector<16xi32>], vector<16xi32>,
      %get3A_98 = arith.constant 0 : i32
      %get3A_99 = arith.index_cast %get3A_98 : i32 to index
      %get3A_100 = arith.constant 96 : index
      %get3A_101 = tpu.vector_load %arg4[%get3A_99, %get3A_100] {strides = array<i32>} : memref<8x128xi32, #tpu.memory_space<vmem>>, vector<16xi32>,
      %mul3A_102 = arith.constant 8 : i32
      %mul3A_103 = vector.broadcast %mul3A_102 : i32 to vector<16xi32>
      %mul3A_104 = arith.muli %get3A_101, %mul3A_103 : vector<16xi32>
      %add3A_105 = arith.constant 0 : i32
      %add3A_106 = vector.broadcast %add3A_105 : i32 to vector<16xi32>
      %add3A_107 = arith.addi %mul3A_104, %add3A_106 : vector<16xi32>
      %add3A_108 = arith.constant 96 : i32
      %add3A_109 = vector.broadcast %add3A_108 : i32 to vector<16xi32>
      %add3A_110 = arith.addi %iota3A, %add3A_109 : vector<16xi32>
      tpu.vector_store_idx %arg5[%add3A_107, %add3A_110], %broadcast_in_dim3A_3 : memref<512x128xi32, #tpu.memory_space<vmem>>[vector<16xi32>, vector<16xi32>], vector<16xi32>,
      %get3A_111 = arith.constant 0 : i32
      %get3A_112 = arith.index_cast %get3A_111 : i32 to index
      %get3A_113 = arith.constant 112 : index
      %get3A_114 = tpu.vector_load %arg4[%get3A_112, %get3A_113] {strides = array<i32>} : memref<8x128xi32, #tpu.memory_space<vmem>>, vector<16xi32>,
      %mul3A_115 = arith.constant 8 : i32
      %mul3A_116 = vector.broadcast %mul3A_115 : i32 to vector<16xi32>
      %mul3A_117 = arith.muli %get3A_114, %mul3A_116 : vector<16xi32>
      %add3A_118 = arith.constant 0 : i32
      %add3A_119 = vector.broadcast %add3A_118 : i32 to vector<16xi32>
      %add3A_120 = arith.addi %mul3A_117, %add3A_119 : vector<16xi32>
      %add3A_121 = arith.constant 112 : i32
      %add3A_122 = vector.broadcast %add3A_121 : i32 to vector<16xi32>
      %add3A_123 = arith.addi %iota3A, %add3A_122 : vector<16xi32>
      tpu.vector_store_idx %arg5[%add3A_120, %add3A_123], %broadcast_in_dim3A_3 : memref<512x128xi32, #tpu.memory_space<vmem>>[vector<16xi32>, vector<16xi32>], vector<16xi32>,
      %get3A_124 = arith.constant 1 : i32
      %get3A_125 = arith.index_cast %get3A_124 : i32 to index
      %get3A_126 = arith.constant 0 : index
      %get3A_127 = tpu.vector_load %arg4[%get3A_125, %get3A_126] {strides = array<i32>} : memref<8x128xi32, #tpu.memory_space<vmem>>, vector<16xi32>,
      %mul3A_128 = arith.constant 8 : i32
      %mul3A_129 = vector.broadcast %mul3A_128 : i32 to vector<16xi32>
      %mul3A_130 = arith.muli %get3A_127, %mul3A_129 : vector<16xi32>
      %add3A_131 = arith.constant 1 : i32
      %add3A_132 = vector.broadcast %add3A_131 : i32 to vector<16xi32>
      %add3A_133 = arith.addi %mul3A_130, %add3A_132 : vector<16xi32>
      %add3A_134 = arith.constant 0 : i32
      %add3A_135 = vector.broadcast %add3A_134 : i32 to vector<16xi32>
      %add3A_136 = arith.addi %iota3A, %add3A_135 : vector<16xi32>
      tpu.vector_store_idx %arg5[%add3A_133, %add3A_136], %broadcast_in_dim3A_3 : memref<512x128xi32, #tpu.memory_space<vmem>>[vector<16xi32>, vector<16xi32>], vector<16xi32>,
      %get3A_137 = arith.constant 1 : i32
      %get3A_138 = arith.index_cast %get3A_137 : i32 to index
      %get3A_139 = arith.constant 16 : index
      %get3A_140 = tpu.vector_load %arg4[%get3A_138, %get3A_139] {strides = array<i32>} : memref<8x128xi32, #tpu.memory_space<vmem>>, vector<16xi32>,
      %mul3A_141 = arith.constant 8 : i32
      %mul3A_142 = vector.broadcast %mul3A_141 : i32 to vector<16xi32>
      %mul3A_143 = arith.muli %get3A_140, %mul3A_142 : vector<16xi32>
      %add3A_144 = arith.constant 1 : i32
      %add3A_145 = vector.broadcast %add3A_144 : i32 to vector<16xi32>
      %add3A_146 = arith.addi %mul3A_143, %add3A_145 : vector<16xi32>
      %add3A_147 = arith.constant 16 : i32
      %add3A_148 = vector.broadcast %add3A_147 : i32 to vector<16xi32>
      %add3A_149 = arith.addi %iota3A, %add3A_148 : vector<16xi32>
      tpu.vector_store_idx %arg5[%add3A_146, %add3A_149], %broadcast_in_dim3A_3 : memref<512x128xi32, #tpu.memory_space<vmem>>[vector<16xi32>, vector<16xi32>], vector<16xi32>,
      %get3A_150 = arith.constant 1 : i32
      %get3A_151 = arith.index_cast %get3A_150 : i32 to index
      %get3A_152 = arith.constant 32 : index
      %get3A_153 = tpu.vector_load %arg4[%get3A_151, %get3A_152] {strides = array<i32>} : memref<8x128xi32, #tpu.memory_space<vmem>>, vector<16xi32>,
      %mul3A_154 = arith.constant 8 : i32
      %mul3A_155 = vector.broadcast %mul3A_154 : i32 to vector<16xi32>
      %mul3A_156 = arith.muli %get3A_153, %mul3A_155 : vector<16xi32>
      %add3A_157 = arith.constant 1 : i32
      %add3A_158 = vector.broadcast %add3A_157 : i32 to vector<16xi32>
      %add3A_159 = arith.addi %mul3A_156, %add3A_158 : vector<16xi32>
      %add3A_160 = arith.constant 32 : i32
      %add3A_161 = vector.broadcast %add3A_160 : i32 to vector<16xi32>
      %add3A_162 = arith.addi %iota3A, %add3A_161 : vector<16xi32>
      tpu.vector_store_idx %arg5[%add3A_159, %add3A_162], %broadcast_in_dim3A_3 : memref<512x128xi32, #tpu.memory_space<vmem>>[vector<16xi32>, vector<16xi32>], vector<16xi32>,
      %get3A_163 = arith.constant 1 : i32
      %get3A_164 = arith.index_cast %get3A_163 : i32 to index
      %get3A_165 = arith.constant 48 : index
      %get3A_166 = tpu.vector_load %arg4[%get3A_164, %get3A_165] {strides = array<i32>} : memref<8x128xi32, #tpu.memory_space<vmem>>, vector<16xi32>,
      %mul3A_167 = arith.constant 8 : i32
      %mul3A_168 = vector.broadcast %mul3A_167 : i32 to vector<16xi32>
      %mul3A_169 = arith.muli %get3A_166, %mul3A_168 : vector<16xi32>
      %add3A_170 = arith.constant 1 : i32
      %add3A_171 = vector.broadcast %add3A_170 : i32 to vector<16xi32>
      %add3A_172 = arith.addi %mul3A_169, %add3A_171 : vector<16xi32>
      %add3A_173 = arith.constant 48 : i32
      %add3A_174 = vector.broadcast %add3A_173 : i32 to vector<16xi32>
      %add3A_175 = arith.addi %iota3A, %add3A_174 : vector<16xi32>
      tpu.vector_store_idx %arg5[%add3A_172, %add3A_175], %broadcast_in_dim3A_3 : memref<512x128xi32, #tpu.memory_space<vmem>>[vector<16xi32>, vector<16xi32>], vector<16xi32>,
      %get3A_176 = arith.constant 1 : i32
      %get3A_177 = arith.index_cast %get3A_176 : i32 to index
      %get3A_178 = arith.constant 64 : index
      %get3A_179 = tpu.vector_load %arg4[%get3A_177, %get3A_178] {strides = array<i32>} : memref<8x128xi32, #tpu.memory_space<vmem>>, vector<16xi32>,
      %mul3A_180 = arith.constant 8 : i32
      %mul3A_181 = vector.broadcast %mul3A_180 : i32 to vector<16xi32>
      %mul3A_182 = arith.muli %get3A_179, %mul3A_181 : vector<16xi32>
      %add3A_183 = arith.constant 1 : i32
      %add3A_184 = vector.broadcast %add3A_183 : i32 to vector<16xi32>
      %add3A_185 = arith.addi %mul3A_182, %add3A_184 : vector<16xi32>
      %add3A_186 = arith.constant 64 : i32
      %add3A_187 = vector.broadcast %add3A_186 : i32 to vector<16xi32>
      %add3A_188 = arith.addi %iota3A, %add3A_187 : vector<16xi32>
      tpu.vector_store_idx %arg5[%add3A_185, %add3A_188], %broadcast_in_dim3A_3 : memref<512x128xi32, #tpu.memory_space<vmem>>[vector<16xi32>, vector<16xi32>], vector<16xi32>,
      %get3A_189 = arith.constant 1 : i32
      %get3A_190 = arith.index_cast %get3A_189 : i32 to index
      %get3A_191 = arith.constant 80 : index
      %get3A_192 = tpu.vector_load %arg4[%get3A_190, %get3A_191] {strides = array<i32>} : memref<8x128xi32, #tpu.memory_space<vmem>>, vector<16xi32>,
      %mul3A_193 = arith.constant 8 : i32
      %mul3A_194 = vector.broadcast %mul3A_193 : i32 to vector<16xi32>
      %mul3A_195 = arith.muli %get3A_192, %mul3A_194 : vector<16xi32>
      %add3A_196 = arith.constant 1 : i32
      %add3A_197 = vector.broadcast %add3A_196 : i32 to vector<16xi32>
      %add3A_198 = arith.addi %mul3A_195, %add3A_197 : vector<16xi32>
      %add3A_199 = arith.constant 80 : i32
      %add3A_200 = vector.broadcast %add3A_199 : i32 to vector<16xi32>
      %add3A_201 = arith.addi %iota3A, %add3A_200 : vector<16xi32>
      tpu.vector_store_idx %arg5[%add3A_198, %add3A_201], %broadcast_in_dim3A_3 : memref<512x128xi32, #tpu.memory_space<vmem>>[vector<16xi32>, vector<16xi32>], vector<16xi32>,
      %get3A_202 = arith.constant 1 : i32
      %get3A_203 = arith.index_cast %get3A_202 : i32 to index
      %get3A_204 = arith.constant 96 : index
      %get3A_205 = tpu.vector_load %arg4[%get3A_203, %get3A_204] {strides = array<i32>} : memref<8x128xi32, #tpu.memory_space<vmem>>, vector<16xi32>,
      %mul3A_206 = arith.constant 8 : i32
      %mul3A_207 = vector.broadcast %mul3A_206 : i32 to vector<16xi32>
      %mul3A_208 = arith.muli %get3A_205, %mul3A_207 : vector<16xi32>
      %add3A_209 = arith.constant 1 : i32
      %add3A_210 = vector.broadcast %add3A_209 : i32 to vector<16xi32>
      %add3A_211 = arith.addi %mul3A_208, %add3A_210 : vector<16xi32>
      %add3A_212 = arith.constant 96 : i32
      %add3A_213 = vector.broadcast %add3A_212 : i32 to vector<16xi32>
      %add3A_214 = arith.addi %iota3A, %add3A_213 : vector<16xi32>
      tpu.vector_store_idx %arg5[%add3A_211, %add3A_214], %broadcast_in_dim3A_3 : memref<512x128xi32, #tpu.memory_space<vmem>>[vector<16xi32>, vector<16xi32>], vector<16xi32>,
      %get3A_215 = arith.constant 1 : i32
      %get3A_216 = arith.index_cast %get3A_215 : i32 to index
      %get3A_217 = arith.constant 112 : index
      %get3A_218 = tpu.vector_load %arg4[%get3A_216, %get3A_217] {strides = array<i32>} : memref<8x128xi32, #tpu.memory_space<vmem>>, vector<16xi32>,
      %mul3A_219 = arith.constant 8 : i32
      %mul3A_220 = vector.broadcast %mul3A_219 : i32 to vector<16xi32>
      %mul3A_221 = arith.muli %get3A_218, %mul3A_220 : vector<16xi32>
      %add3A_222 = arith.constant 1 : i32
      %add3A_223 = vector.broadcast %add3A_222 : i32 to vector<16xi32>
      %add3A_224 = arith.addi %mul3A_221, %add3A_223 : vector<16xi32>
      %add3A_225 = arith.constant 112 : i32
      %add3A_226 = vector.broadcast %add3A_225 : i32 to vector<16xi32>
      %add3A_227 = arith.addi %iota3A, %add3A_226 : vector<16xi32>
      tpu.vector_store_idx %arg5[%add3A_224, %add3A_227], %broadcast_in_dim3A_3 : memref<512x128xi32, #tpu.memory_space<vmem>>[vector<16xi32>, vector<16xi32>], vector<16xi32>,
      %get3A_228 = arith.constant 2 : i32
      %get3A_229 = arith.index_cast %get3A_228 : i32 to index
      %get3A_230 = arith.constant 0 : index
      %get3A_231 = tpu.vector_load %arg4[%get3A_229, %get3A_230] {strides = array<i32>} : memref<8x128xi32, #tpu.memory_space<vmem>>, vector<16xi32>,
      %mul3A_232 = arith.constant 8 : i32
      %mul3A_233 = vector.broadcast %mul3A_232 : i32 to vector<16xi32>
      %mul3A_234 = arith.muli %get3A_231, %mul3A_233 : vector<16xi32>
      %add3A_235 = arith.constant 2 : i32
      %add3A_236 = vector.broadcast %add3A_235 : i32 to vector<16xi32>
      %add3A_237 = arith.addi %mul3A_234, %add3A_236 : vector<16xi32>
      %add3A_238 = arith.constant 0 : i32
      %add3A_239 = vector.broadcast %add3A_238 : i32 to vector<16xi32>
      %add3A_240 = arith.addi %iota3A, %add3A_239 : vector<16xi32>
      tpu.vector_store_idx %arg5[%add3A_237, %add3A_240], %broadcast_in_dim3A_3 : memref<512x128xi32, #tpu.memory_space<vmem>>[vector<16xi32>, vector<16xi32>], vector<16xi32>,
      %get3A_241 = arith.constant 2 : i32
      %get3A_242 = arith.index_cast %get3A_241 : i32 to index
      %get3A_243 = arith.constant 16 : index
      %get3A_244 = tpu.vector_load %arg4[%get3A_242, %get3A_243] {strides = array<i32>} : memref<8x128xi32, #tpu.memory_space<vmem>>, vector<16xi32>,
      %mul3A_245 = arith.constant 8 : i32
      %mul3A_246 = vector.broadcast %mul3A_245 : i32 to vector<16xi32>
      %mul3A_247 = arith.muli %get3A_244, %mul3A_246 : vector<16xi32>
      %add3A_248 = arith.constant 2 : i32
      %add3A_249 = vector.broadcast %add3A_248 : i32 to vector<16xi32>
      %add3A_250 = arith.addi %mul3A_247, %add3A_249 : vector<16xi32>
      %add3A_251 = arith.constant 16 : i32
      %add3A_252 = vector.broadcast %add3A_251 : i32 to vector<16xi32>
      %add3A_253 = arith.addi %iota3A, %add3A_252 : vector<16xi32>
      tpu.vector_store_idx %arg5[%add3A_250, %add3A_253], %broadcast_in_dim3A_3 : memref<512x128xi32, #tpu.memory_space<vmem>>[vector<16xi32>, vector<16xi32>], vector<16xi32>,
      %get3A_254 = arith.constant 2 : i32
      %get3A_255 = arith.index_cast %get3A_254 : i32 to index
      %get3A_256 = arith.constant 32 : index
      %get3A_257 = tpu.vector_load %arg4[%get3A_255, %get3A_256] {strides = array<i32>} : memref<8x128xi32, #tpu.memory_space<vmem>>, vector<16xi32>,
      %mul3A_258 = arith.constant 8 : i32
      %mul3A_259 = vector.broadcast %mul3A_258 : i32 to vector<16xi32>
      %mul3A_260 = arith.muli %get3A_257, %mul3A_259 : vector<16xi32>
      %add3A_261 = arith.constant 2 : i32
      %add3A_262 = vector.broadcast %add3A_261 : i32 to vector<16xi32>
      %add3A_263 = arith.addi %mul3A_260, %add3A_262 : vector<16xi32>
      %add3A_264 = arith.constant 32 : i32
      %add3A_265 = vector.broadcast %add3A_264 : i32 to vector<16xi32>
      %add3A_266 = arith.addi %iota3A, %add3A_265 : vector<16xi32>
      tpu.vector_store_idx %arg5[%add3A_263, %add3A_266], %broadcast_in_dim3A_3 : memref<512x128xi32, #tpu.memory_space<vmem>>[vector<16xi32>, vector<16xi32>], vector<16xi32>,
      %get3A_267 = arith.constant 2 : i32
      %get3A_268 = arith.index_cast %get3A_267 : i32 to index
      %get3A_269 = arith.constant 48 : index
      %get3A_270 = tpu.vector_load %arg4[%get3A_268, %get3A_269] {strides = array<i32>} : memref<8x128xi32, #tpu.memory_space<vmem>>, vector<16xi32>,
      %mul3A_271 = arith.constant 8 : i32
      %mul3A_272 = vector.broadcast %mul3A_271 : i32 to vector<16xi32>
      %mul3A_273 = arith.muli %get3A_270, %mul3A_272 : vector<16xi32>
      %add3A_274 = arith.constant 2 : i32
      %add3A_275 = vector.broadcast %add3A_274 : i32 to vector<16xi32>
      %add3A_276 = arith.addi %mul3A_273, %add3A_275 : vector<16xi32>
      %add3A_277 = arith.constant 48 : i32
      %add3A_278 = vector.broadcast %add3A_277 : i32 to vector<16xi32>
      %add3A_279 = arith.addi %iota3A, %add3A_278 : vector<16xi32>
      tpu.vector_store_idx %arg5[%add3A_276, %add3A_279], %broadcast_in_dim3A_3 : memref<512x128xi32, #tpu.memory_space<vmem>>[vector<16xi32>, vector<16xi32>], vector<16xi32>,
      %get3A_280 = arith.constant 2 : i32
      %get3A_281 = arith.index_cast %get3A_280 : i32 to index
      %get3A_282 = arith.constant 64 : index
      %get3A_283 = tpu.vector_load %arg4[%get3A_281, %get3A_282] {strides = array<i32>} : memref<8x128xi32, #tpu.memory_space<vmem>>, vector<16xi32>,
      %mul3A_284 = arith.constant 8 : i32
      %mul3A_285 = vector.broadcast %mul3A_284 : i32 to vector<16xi32>
      %mul3A_286 = arith.muli %get3A_283, %mul3A_285 : vector<16xi32>
      %add3A_287 = arith.constant 2 : i32
      %add3A_288 = vector.broadcast %add3A_287 : i32 to vector<16xi32>
      %add3A_289 = arith.addi %mul3A_286, %add3A_288 : vector<16xi32>
      %add3A_290 = arith.constant 64 : i32
      %add3A_291 = vector.broadcast %add3A_290 : i32 to vector<16xi32>
      %add3A_292 = arith.addi %iota3A, %add3A_291 : vector<16xi32>
      tpu.vector_store_idx %arg5[%add3A_289, %add3A_292], %broadcast_in_dim3A_3 : memref<512x128xi32, #tpu.memory_space<vmem>>[vector<16xi32>, vector<16xi32>], vector<16xi32>,
      %get3A_293 = arith.constant 2 : i32
      %get3A_294 = arith.index_cast %get3A_293 : i32 to index
      %get3A_295 = arith.constant 80 : index
      %get3A_296 = tpu.vector_load %arg4[%get3A_294, %get3A_295] {strides = array<i32>} : memref<8x128xi32, #tpu.memory_space<vmem>>, vector<16xi32>,
      %mul3A_297 = arith.constant 8 : i32
      %mul3A_298 = vector.broadcast %mul3A_297 : i32 to vector<16xi32>
      %mul3A_299 = arith.muli %get3A_296, %mul3A_298 : vector<16xi32>
      %add3A_300 = arith.constant 2 : i32
      %add3A_301 = vector.broadcast %add3A_300 : i32 to vector<16xi32>
      %add3A_302 = arith.addi %mul3A_299, %add3A_301 : vector<16xi32>
      %add3A_303 = arith.constant 80 : i32
      %add3A_304 = vector.broadcast %add3A_303 : i32 to vector<16xi32>
      %add3A_305 = arith.addi %iota3A, %add3A_304 : vector<16xi32>
      tpu.vector_store_idx %arg5[%add3A_302, %add3A_305], %broadcast_in_dim3A_3 : memref<512x128xi32, #tpu.memory_space<vmem>>[vector<16xi32>, vector<16xi32>], vector<16xi32>,
      %get3A_306 = arith.constant 2 : i32
      %get3A_307 = arith.index_cast %get3A_306 : i32 to index
      %get3A_308 = arith.constant 96 : index
      %get3A_309 = tpu.vector_load %arg4[%get3A_307, %get3A_308] {strides = array<i32>} : memref<8x128xi32, #tpu.memory_space<vmem>>, vector<16xi32>,
      %mul3A_310 = arith.constant 8 : i32
      %mul3A_311 = vector.broadcast %mul3A_310 : i32 to vector<16xi32>
      %mul3A_312 = arith.muli %get3A_309, %mul3A_311 : vector<16xi32>
      %add3A_313 = arith.constant 2 : i32
      %add3A_314 = vector.broadcast %add3A_313 : i32 to vector<16xi32>
      %add3A_315 = arith.addi %mul3A_312, %add3A_314 : vector<16xi32>
      %add3A_316 = arith.constant 96 : i32
      %add3A_317 = vector.broadcast %add3A_316 : i32 to vector<16xi32>
      %add3A_318 = arith.addi %iota3A, %add3A_317 : vector<16xi32>
      tpu.vector_store_idx %arg5[%add3A_315, %add3A_318], %broadcast_in_dim3A_3 : memref<512x128xi32, #tpu.memory_space<vmem>>[vector<16xi32>, vector<16xi32>], vector<16xi32>,
      %get3A_319 = arith.constant 2 : i32
      %get3A_320 = arith.index_cast %get3A_319 : i32 to index
      %get3A_321 = arith.constant 112 : index
      %get3A_322 = tpu.vector_load %arg4[%get3A_320, %get3A_321] {strides = array<i32>} : memref<8x128xi32, #tpu.memory_space<vmem>>, vector<16xi32>,
      %mul3A_323 = arith.constant 8 : i32
      %mul3A_324 = vector.broadcast %mul3A_323 : i32 to vector<16xi32>
      %mul3A_325 = arith.muli %get3A_322, %mul3A_324 : vector<16xi32>
      %add3A_326 = arith.constant 2 : i32
      %add3A_327 = vector.broadcast %add3A_326 : i32 to vector<16xi32>
      %add3A_328 = arith.addi %mul3A_325, %add3A_327 : vector<16xi32>
      %add3A_329 = arith.constant 112 : i32
      %add3A_330 = vector.broadcast %add3A_329 : i32 to vector<16xi32>
      %add3A_331 = arith.addi %iota3A, %add3A_330 : vector<16xi32>
      tpu.vector_store_idx %arg5[%add3A_328, %add3A_331], %broadcast_in_dim3A_3 : memref<512x128xi32, #tpu.memory_space<vmem>>[vector<16xi32>, vector<16xi32>], vector<16xi32>,
      %get3A_332 = arith.constant 3 : i32
      %get3A_333 = arith.index_cast %get3A_332 : i32 to index
      %get3A_334 = arith.constant 0 : index
      %get3A_335 = tpu.vector_load %arg4[%get3A_333, %get3A_334] {strides = array<i32>} : memref<8x128xi32, #tpu.memory_space<vmem>>, vector<16xi32>,
      %mul3A_336 = arith.constant 8 : i32
      %mul3A_337 = vector.broadcast %mul3A_336 : i32 to vector<16xi32>
      %mul3A_338 = arith.muli %get3A_335, %mul3A_337 : vector<16xi32>
      %add3A_339 = arith.constant 3 : i32
      %add3A_340 = vector.broadcast %add3A_339 : i32 to vector<16xi32>
      %add3A_341 = arith.addi %mul3A_338, %add3A_340 : vector<16xi32>
      %add3A_342 = arith.constant 0 : i32
      %add3A_343 = vector.broadcast %add3A_342 : i32 to vector<16xi32>
      %add3A_344 = arith.addi %iota3A, %add3A_343 : vector<16xi32>
      tpu.vector_store_idx %arg5[%add3A_341, %add3A_344], %broadcast_in_dim3A_3 : memref<512x128xi32, #tpu.memory_space<vmem>>[vector<16xi32>, vector<16xi32>], vector<16xi32>,
      %get3A_345 = arith.constant 3 : i32
      %get3A_346 = arith.index_cast %get3A_345 : i32 to index
      %get3A_347 = arith.constant 16 : index
      %get3A_348 = tpu.vector_load %arg4[%get3A_346, %get3A_347] {strides = array<i32>} : memref<8x128xi32, #tpu.memory_space<vmem>>, vector<16xi32>,
      %mul3A_349 = arith.constant 8 : i32
      %mul3A_350 = vector.broadcast %mul3A_349 : i32 to vector<16xi32>
      %mul3A_351 = arith.muli %get3A_348, %mul3A_350 : vector<16xi32>
      %add3A_352 = arith.constant 3 : i32
      %add3A_353 = vector.broadcast %add3A_352 : i32 to vector<16xi32>
      %add3A_354 = arith.addi %mul3A_351, %add3A_353 : vector<16xi32>
      %add3A_355 = arith.constant 16 : i32
      %add3A_356 = vector.broadcast %add3A_355 : i32 to vector<16xi32>
      %add3A_357 = arith.addi %iota3A, %add3A_356 : vector<16xi32>
      tpu.vector_store_idx %arg5[%add3A_354, %add3A_357], %broadcast_in_dim3A_3 : memref<512x128xi32, #tpu.memory_space<vmem>>[vector<16xi32>, vector<16xi32>], vector<16xi32>,
      %get3A_358 = arith.constant 3 : i32
      %get3A_359 = arith.index_cast %get3A_358 : i32 to index
      %get3A_360 = arith.constant 32 : index
      %get3A_361 = tpu.vector_load %arg4[%get3A_359, %get3A_360] {strides = array<i32>} : memref<8x128xi32, #tpu.memory_space<vmem>>, vector<16xi32>,
      %mul3A_362 = arith.constant 8 : i32
      %mul3A_363 = vector.broadcast %mul3A_362 : i32 to vector<16xi32>
      %mul3A_364 = arith.muli %get3A_361, %mul3A_363 : vector<16xi32>
      %add3A_365 = arith.constant 3 : i32
      %add3A_366 = vector.broadcast %add3A_365 : i32 to vector<16xi32>
      %add3A_367 = arith.addi %mul3A_364, %add3A_366 : vector<16xi32>
      %add3A_368 = arith.constant 32 : i32
      %add3A_369 = vector.broadcast %add3A_368 : i32 to vector<16xi32>
      %add3A_370 = arith.addi %iota3A, %add3A_369 : vector<16xi32>
      tpu.vector_store_idx %arg5[%add3A_367, %add3A_370], %broadcast_in_dim3A_3 : memref<512x128xi32, #tpu.memory_space<vmem>>[vector<16xi32>, vector<16xi32>], vector<16xi32>,
      %get3A_371 = arith.constant 3 : i32
      %get3A_372 = arith.index_cast %get3A_371 : i32 to index
      %get3A_373 = arith.constant 48 : index
      %get3A_374 = tpu.vector_load %arg4[%get3A_372, %get3A_373] {strides = array<i32>} : memref<8x128xi32, #tpu.memory_space<vmem>>, vector<16xi32>,
      %mul3A_375 = arith.constant 8 : i32
      %mul3A_376 = vector.broadcast %mul3A_375 : i32 to vector<16xi32>
      %mul3A_377 = arith.muli %get3A_374, %mul3A_376 : vector<16xi32>
      %add3A_378 = arith.constant 3 : i32
      %add3A_379 = vector.broadcast %add3A_378 : i32 to vector<16xi32>
      %add3A_380 = arith.addi %mul3A_377, %add3A_379 : vector<16xi32>
      %add3A_381 = arith.constant 48 : i32
      %add3A_382 = vector.broadcast %add3A_381 : i32 to vector<16xi32>
      %add3A_383 = arith.addi %iota3A, %add3A_382 : vector<16xi32>
      tpu.vector_store_idx %arg5[%add3A_380, %add3A_383], %broadcast_in_dim3A_3 : memref<512x128xi32, #tpu.memory_space<vmem>>[vector<16xi32>, vector<16xi32>], vector<16xi32>,
      %get3A_384 = arith.constant 3 : i32
      %get3A_385 = arith.index_cast %get3A_384 : i32 to index
      %get3A_386 = arith.constant 64 : index
      %get3A_387 = tpu.vector_load %arg4[%get3A_385, %get3A_386] {strides = array<i32>} : memref<8x128xi32, #tpu.memory_space<vmem>>, vector<16xi32>,
      %mul3A_388 = arith.constant 8 : i32
      %mul3A_389 = vector.broadcast %mul3A_388 : i32 to vector<16xi32>
      %mul3A_390 = arith.muli %get3A_387, %mul3A_389 : vector<16xi32>
      %add3A_391 = arith.constant 3 : i32
      %add3A_392 = vector.broadcast %add3A_391 : i32 to vector<16xi32>
      %add3A_393 = arith.addi %mul3A_390, %add3A_392 : vector<16xi32>
      %add3A_394 = arith.constant 64 : i32
      %add3A_395 = vector.broadcast %add3A_394 : i32 to vector<16xi32>
      %add3A_396 = arith.addi %iota3A, %add3A_395 : vector<16xi32>
      tpu.vector_store_idx %arg5[%add3A_393, %add3A_396], %broadcast_in_dim3A_3 : memref<512x128xi32, #tpu.memory_space<vmem>>[vector<16xi32>, vector<16xi32>], vector<16xi32>,
      %get3A_397 = arith.constant 3 : i32
      %get3A_398 = arith.index_cast %get3A_397 : i32 to index
      %get3A_399 = arith.constant 80 : index
      %get3A_400 = tpu.vector_load %arg4[%get3A_398, %get3A_399] {strides = array<i32>} : memref<8x128xi32, #tpu.memory_space<vmem>>, vector<16xi32>,
      %mul3A_401 = arith.constant 8 : i32
      %mul3A_402 = vector.broadcast %mul3A_401 : i32 to vector<16xi32>
      %mul3A_403 = arith.muli %get3A_400, %mul3A_402 : vector<16xi32>
      %add3A_404 = arith.constant 3 : i32
      %add3A_405 = vector.broadcast %add3A_404 : i32 to vector<16xi32>
      %add3A_406 = arith.addi %mul3A_403, %add3A_405 : vector<16xi32>
      %add3A_407 = arith.constant 80 : i32
      %add3A_408 = vector.broadcast %add3A_407 : i32 to vector<16xi32>
      %add3A_409 = arith.addi %iota3A, %add3A_408 : vector<16xi32>
      tpu.vector_store_idx %arg5[%add3A_406, %add3A_409], %broadcast_in_dim3A_3 : memref<512x128xi32, #tpu.memory_space<vmem>>[vector<16xi32>, vector<16xi32>], vector<16xi32>,
      %get3A_410 = arith.constant 3 : i32
      %get3A_411 = arith.index_cast %get3A_410 : i32 to index
      %get3A_412 = arith.constant 96 : index
      %get3A_413 = tpu.vector_load %arg4[%get3A_411, %get3A_412] {strides = array<i32>} : memref<8x128xi32, #tpu.memory_space<vmem>>, vector<16xi32>,
      %mul3A_414 = arith.constant 8 : i32
      %mul3A_415 = vector.broadcast %mul3A_414 : i32 to vector<16xi32>
      %mul3A_416 = arith.muli %get3A_413, %mul3A_415 : vector<16xi32>
      %add3A_417 = arith.constant 3 : i32
      %add3A_418 = vector.broadcast %add3A_417 : i32 to vector<16xi32>
      %add3A_419 = arith.addi %mul3A_416, %add3A_418 : vector<16xi32>
      %add3A_420 = arith.constant 96 : i32
      %add3A_421 = vector.broadcast %add3A_420 : i32 to vector<16xi32>
      %add3A_422 = arith.addi %iota3A, %add3A_421 : vector<16xi32>
      tpu.vector_store_idx %arg5[%add3A_419, %add3A_422], %broadcast_in_dim3A_3 : memref<512x128xi32, #tpu.memory_space<vmem>>[vector<16xi32>, vector<16xi32>], vector<16xi32>,
      %get3A_423 = arith.constant 3 : i32
      %get3A_424 = arith.index_cast %get3A_423 : i32 to index
      %get3A_425 = arith.constant 112 : index
      %get3A_426 = tpu.vector_load %arg4[%get3A_424, %get3A_425] {strides = array<i32>} : memref<8x128xi32, #tpu.memory_space<vmem>>, vector<16xi32>,
      %mul3A_427 = arith.constant 8 : i32
      %mul3A_428 = vector.broadcast %mul3A_427 : i32 to vector<16xi32>
      %mul3A_429 = arith.muli %get3A_426, %mul3A_428 : vector<16xi32>
      %add3A_430 = arith.constant 3 : i32
      %add3A_431 = vector.broadcast %add3A_430 : i32 to vector<16xi32>
      %add3A_432 = arith.addi %mul3A_429, %add3A_431 : vector<16xi32>
      %add3A_433 = arith.constant 112 : i32
      %add3A_434 = vector.broadcast %add3A_433 : i32 to vector<16xi32>
      %add3A_435 = arith.addi %iota3A, %add3A_434 : vector<16xi32>
      tpu.vector_store_idx %arg5[%add3A_432, %add3A_435], %broadcast_in_dim3A_3 : memref<512x128xi32, #tpu.memory_space<vmem>>[vector<16xi32>, vector<16xi32>], vector<16xi32>,
      %get3A_436 = arith.constant 4 : i32
      %get3A_437 = arith.index_cast %get3A_436 : i32 to index
      %get3A_438 = arith.constant 0 : index
      %get3A_439 = tpu.vector_load %arg4[%get3A_437, %get3A_438] {strides = array<i32>} : memref<8x128xi32, #tpu.memory_space<vmem>>, vector<16xi32>,
      %mul3A_440 = arith.constant 8 : i32
      %mul3A_441 = vector.broadcast %mul3A_440 : i32 to vector<16xi32>
      %mul3A_442 = arith.muli %get3A_439, %mul3A_441 : vector<16xi32>
      %add3A_443 = arith.constant 4 : i32
      %add3A_444 = vector.broadcast %add3A_443 : i32 to vector<16xi32>
      %add3A_445 = arith.addi %mul3A_442, %add3A_444 : vector<16xi32>
      %add3A_446 = arith.constant 0 : i32
      %add3A_447 = vector.broadcast %add3A_446 : i32 to vector<16xi32>
      %add3A_448 = arith.addi %iota3A, %add3A_447 : vector<16xi32>
      tpu.vector_store_idx %arg5[%add3A_445, %add3A_448], %broadcast_in_dim3A_3 : memref<512x128xi32, #tpu.memory_space<vmem>>[vector<16xi32>, vector<16xi32>], vector<16xi32>,
      %get3A_449 = arith.constant 4 : i32
      %get3A_450 = arith.index_cast %get3A_449 : i32 to index
      %get3A_451 = arith.constant 16 : index
      %get3A_452 = tpu.vector_load %arg4[%get3A_450, %get3A_451] {strides = array<i32>} : memref<8x128xi32, #tpu.memory_space<vmem>>, vector<16xi32>,
      %mul3A_453 = arith.constant 8 : i32
      %mul3A_454 = vector.broadcast %mul3A_453 : i32 to vector<16xi32>
      %mul3A_455 = arith.muli %get3A_452, %mul3A_454 : vector<16xi32>
      %add3A_456 = arith.constant 4 : i32
      %add3A_457 = vector.broadcast %add3A_456 : i32 to vector<16xi32>
      %add3A_458 = arith.addi %mul3A_455, %add3A_457 : vector<16xi32>
      %add3A_459 = arith.constant 16 : i32
      %add3A_460 = vector.broadcast %add3A_459 : i32 to vector<16xi32>
      %add3A_461 = arith.addi %iota3A, %add3A_460 : vector<16xi32>
      tpu.vector_store_idx %arg5[%add3A_458, %add3A_461], %broadcast_in_dim3A_3 : memref<512x128xi32, #tpu.memory_space<vmem>>[vector<16xi32>, vector<16xi32>], vector<16xi32>,
      %get3A_462 = arith.constant 4 : i32
      %get3A_463 = arith.index_cast %get3A_462 : i32 to index
      %get3A_464 = arith.constant 32 : index
      %get3A_465 = tpu.vector_load %arg4[%get3A_463, %get3A_464] {strides = array<i32>} : memref<8x128xi32, #tpu.memory_space<vmem>>, vector<16xi32>,
      %mul3A_466 = arith.constant 8 : i32
      %mul3A_467 = vector.broadcast %mul3A_466 : i32 to vector<16xi32>
      %mul3A_468 = arith.muli %get3A_465, %mul3A_467 : vector<16xi32>
      %add3A_469 = arith.constant 4 : i32
      %add3A_470 = vector.broadcast %add3A_469 : i32 to vector<16xi32>
      %add3A_471 = arith.addi %mul3A_468, %add3A_470 : vector<16xi32>
      %add3A_472 = arith.constant 32 : i32
      %add3A_473 = vector.broadcast %add3A_472 : i32 to vector<16xi32>
      %add3A_474 = arith.addi %iota3A, %add3A_473 : vector<16xi32>
      tpu.vector_store_idx %arg5[%add3A_471, %add3A_474], %broadcast_in_dim3A_3 : memref<512x128xi32, #tpu.memory_space<vmem>>[vector<16xi32>, vector<16xi32>], vector<16xi32>,
      %get3A_475 = arith.constant 4 : i32
      %get3A_476 = arith.index_cast %get3A_475 : i32 to index
      %get3A_477 = arith.constant 48 : index
      %get3A_478 = tpu.vector_load %arg4[%get3A_476, %get3A_477] {strides = array<i32>} : memref<8x128xi32, #tpu.memory_space<vmem>>, vector<16xi32>,
      %mul3A_479 = arith.constant 8 : i32
      %mul3A_480 = vector.broadcast %mul3A_479 : i32 to vector<16xi32>
      %mul3A_481 = arith.muli %get3A_478, %mul3A_480 : vector<16xi32>
      %add3A_482 = arith.constant 4 : i32
      %add3A_483 = vector.broadcast %add3A_482 : i32 to vector<16xi32>
      %add3A_484 = arith.addi %mul3A_481, %add3A_483 : vector<16xi32>
      %add3A_485 = arith.constant 48 : i32
      %add3A_486 = vector.broadcast %add3A_485 : i32 to vector<16xi32>
      %add3A_487 = arith.addi %iota3A, %add3A_486 : vector<16xi32>
      tpu.vector_store_idx %arg5[%add3A_484, %add3A_487], %broadcast_in_dim3A_3 : memref<512x128xi32, #tpu.memory_space<vmem>>[vector<16xi32>, vector<16xi32>], vector<16xi32>,
      %get3A_488 = arith.constant 4 : i32
      %get3A_489 = arith.index_cast %get3A_488 : i32 to index
      %get3A_490 = arith.constant 64 : index
      %get3A_491 = tpu.vector_load %arg4[%get3A_489, %get3A_490] {strides = array<i32>} : memref<8x128xi32, #tpu.memory_space<vmem>>, vector<16xi32>,
      %mul3A_492 = arith.constant 8 : i32
      %mul3A_493 = vector.broadcast %mul3A_492 : i32 to vector<16xi32>
      %mul3A_494 = arith.muli %get3A_491, %mul3A_493 : vector<16xi32>
      %add3A_495 = arith.constant 4 : i32
      %add3A_496 = vector.broadcast %add3A_495 : i32 to vector<16xi32>
      %add3A_497 = arith.addi %mul3A_494, %add3A_496 : vector<16xi32>
      %add3A_498 = arith.constant 64 : i32
      %add3A_499 = vector.broadcast %add3A_498 : i32 to vector<16xi32>
      %add3A_500 = arith.addi %iota3A, %add3A_499 : vector<16xi32>
      tpu.vector_store_idx %arg5[%add3A_497, %add3A_500], %broadcast_in_dim3A_3 : memref<512x128xi32, #tpu.memory_space<vmem>>[vector<16xi32>, vector<16xi32>], vector<16xi32>,
      %get3A_501 = arith.constant 4 : i32
      %get3A_502 = arith.index_cast %get3A_501 : i32 to index
      %get3A_503 = arith.constant 80 : index
      %get3A_504 = tpu.vector_load %arg4[%get3A_502, %get3A_503] {strides = array<i32>} : memref<8x128xi32, #tpu.memory_space<vmem>>, vector<16xi32>,
      %mul3A_505 = arith.constant 8 : i32
      %mul3A_506 = vector.broadcast %mul3A_505 : i32 to vector<16xi32>
      %mul3A_507 = arith.muli %get3A_504, %mul3A_506 : vector<16xi32>
      %add3A_508 = arith.constant 4 : i32
      %add3A_509 = vector.broadcast %add3A_508 : i32 to vector<16xi32>
      %add3A_510 = arith.addi %mul3A_507, %add3A_509 : vector<16xi32>
      %add3A_511 = arith.constant 80 : i32
      %add3A_512 = vector.broadcast %add3A_511 : i32 to vector<16xi32>
      %add3A_513 = arith.addi %iota3A, %add3A_512 : vector<16xi32>
      tpu.vector_store_idx %arg5[%add3A_510, %add3A_513], %broadcast_in_dim3A_3 : memref<512x128xi32, #tpu.memory_space<vmem>>[vector<16xi32>, vector<16xi32>], vector<16xi32>,
      %get3A_514 = arith.constant 4 : i32
      %get3A_515 = arith.index_cast %get3A_514 : i32 to index
      %get3A_516 = arith.constant 96 : index
      %get3A_517 = tpu.vector_load %arg4[%get3A_515, %get3A_516] {strides = array<i32>} : memref<8x128xi32, #tpu.memory_space<vmem>>, vector<16xi32>,
      %mul3A_518 = arith.constant 8 : i32
      %mul3A_519 = vector.broadcast %mul3A_518 : i32 to vector<16xi32>
      %mul3A_520 = arith.muli %get3A_517, %mul3A_519 : vector<16xi32>
      %add3A_521 = arith.constant 4 : i32
      %add3A_522 = vector.broadcast %add3A_521 : i32 to vector<16xi32>
      %add3A_523 = arith.addi %mul3A_520, %add3A_522 : vector<16xi32>
      %add3A_524 = arith.constant 96 : i32
      %add3A_525 = vector.broadcast %add3A_524 : i32 to vector<16xi32>
      %add3A_526 = arith.addi %iota3A, %add3A_525 : vector<16xi32>
      tpu.vector_store_idx %arg5[%add3A_523, %add3A_526], %broadcast_in_dim3A_3 : memref<512x128xi32, #tpu.memory_space<vmem>>[vector<16xi32>, vector<16xi32>], vector<16xi32>,
      %get3A_527 = arith.constant 4 : i32
      %get3A_528 = arith.index_cast %get3A_527 : i32 to index
      %get3A_529 = arith.constant 112 : index
      %get3A_530 = tpu.vector_load %arg4[%get3A_528, %get3A_529] {strides = array<i32>} : memref<8x128xi32, #tpu.memory_space<vmem>>, vector<16xi32>,
      %mul3A_531 = arith.constant 8 : i32
      %mul3A_532 = vector.broadcast %mul3A_531 : i32 to vector<16xi32>
      %mul3A_533 = arith.muli %get3A_530, %mul3A_532 : vector<16xi32>
      %add3A_534 = arith.constant 4 : i32
      %add3A_535 = vector.broadcast %add3A_534 : i32 to vector<16xi32>
      %add3A_536 = arith.addi %mul3A_533, %add3A_535 : vector<16xi32>
      %add3A_537 = arith.constant 112 : i32
      %add3A_538 = vector.broadcast %add3A_537 : i32 to vector<16xi32>
      %add3A_539 = arith.addi %iota3A, %add3A_538 : vector<16xi32>
      tpu.vector_store_idx %arg5[%add3A_536, %add3A_539], %broadcast_in_dim3A_3 : memref<512x128xi32, #tpu.memory_space<vmem>>[vector<16xi32>, vector<16xi32>], vector<16xi32>,
      %get3A_540 = arith.constant 5 : i32
      %get3A_541 = arith.index_cast %get3A_540 : i32 to index
      %get3A_542 = arith.constant 0 : index
      %get3A_543 = tpu.vector_load %arg4[%get3A_541, %get3A_542] {strides = array<i32>} : memref<8x128xi32, #tpu.memory_space<vmem>>, vector<16xi32>,
      %mul3A_544 = arith.constant 8 : i32
      %mul3A_545 = vector.broadcast %mul3A_544 : i32 to vector<16xi32>
      %mul3A_546 = arith.muli %get3A_543, %mul3A_545 : vector<16xi32>
      %add3A_547 = arith.constant 5 : i32
      %add3A_548 = vector.broadcast %add3A_547 : i32 to vector<16xi32>
      %add3A_549 = arith.addi %mul3A_546, %add3A_548 : vector<16xi32>
      %add3A_550 = arith.constant 0 : i32
      %add3A_551 = vector.broadcast %add3A_550 : i32 to vector<16xi32>
      %add3A_552 = arith.addi %iota3A, %add3A_551 : vector<16xi32>
      tpu.vector_store_idx %arg5[%add3A_549, %add3A_552], %broadcast_in_dim3A_3 : memref<512x128xi32, #tpu.memory_space<vmem>>[vector<16xi32>, vector<16xi32>], vector<16xi32>,
      %get3A_553 = arith.constant 5 : i32
      %get3A_554 = arith.index_cast %get3A_553 : i32 to index
      %get3A_555 = arith.constant 16 : index
      %get3A_556 = tpu.vector_load %arg4[%get3A_554, %get3A_555] {strides = array<i32>} : memref<8x128xi32, #tpu.memory_space<vmem>>, vector<16xi32>,
      %mul3A_557 = arith.constant 8 : i32
      %mul3A_558 = vector.broadcast %mul3A_557 : i32 to vector<16xi32>
      %mul3A_559 = arith.muli %get3A_556, %mul3A_558 : vector<16xi32>
      %add3A_560 = arith.constant 5 : i32
      %add3A_561 = vector.broadcast %add3A_560 : i32 to vector<16xi32>
      %add3A_562 = arith.addi %mul3A_559, %add3A_561 : vector<16xi32>
      %add3A_563 = arith.constant 16 : i32
      %add3A_564 = vector.broadcast %add3A_563 : i32 to vector<16xi32>
      %add3A_565 = arith.addi %iota3A, %add3A_564 : vector<16xi32>
      tpu.vector_store_idx %arg5[%add3A_562, %add3A_565], %broadcast_in_dim3A_3 : memref<512x128xi32, #tpu.memory_space<vmem>>[vector<16xi32>, vector<16xi32>], vector<16xi32>,
      %get3A_566 = arith.constant 5 : i32
      %get3A_567 = arith.index_cast %get3A_566 : i32 to index
      %get3A_568 = arith.constant 32 : index
      %get3A_569 = tpu.vector_load %arg4[%get3A_567, %get3A_568] {strides = array<i32>} : memref<8x128xi32, #tpu.memory_space<vmem>>, vector<16xi32>,
      %mul3A_570 = arith.constant 8 : i32
      %mul3A_571 = vector.broadcast %mul3A_570 : i32 to vector<16xi32>
      %mul3A_572 = arith.muli %get3A_569, %mul3A_571 : vector<16xi32>
      %add3A_573 = arith.constant 5 : i32
      %add3A_574 = vector.broadcast %add3A_573 : i32 to vector<16xi32>
      %add3A_575 = arith.addi %mul3A_572, %add3A_574 : vector<16xi32>
      %add3A_576 = arith.constant 32 : i32
      %add3A_577 = vector.broadcast %add3A_576 : i32 to vector<16xi32>
      %add3A_578 = arith.addi %iota3A, %add3A_577 : vector<16xi32>
      tpu.vector_store_idx %arg5[%add3A_575, %add3A_578], %broadcast_in_dim3A_3 : memref<512x128xi32, #tpu.memory_space<vmem>>[vector<16xi32>, vector<16xi32>], vector<16xi32>,
      %get3A_579 = arith.constant 5 : i32
      %get3A_580 = arith.index_cast %get3A_579 : i32 to index
      %get3A_581 = arith.constant 48 : index
      %get3A_582 = tpu.vector_load %arg4[%get3A_580, %get3A_581] {strides = array<i32>} : memref<8x128xi32, #tpu.memory_space<vmem>>, vector<16xi32>,
      %mul3A_583 = arith.constant 8 : i32
      %mul3A_584 = vector.broadcast %mul3A_583 : i32 to vector<16xi32>
      %mul3A_585 = arith.muli %get3A_582, %mul3A_584 : vector<16xi32>
      %add3A_586 = arith.constant 5 : i32
      %add3A_587 = vector.broadcast %add3A_586 : i32 to vector<16xi32>
      %add3A_588 = arith.addi %mul3A_585, %add3A_587 : vector<16xi32>
      %add3A_589 = arith.constant 48 : i32
      %add3A_590 = vector.broadcast %add3A_589 : i32 to vector<16xi32>
      %add3A_591 = arith.addi %iota3A, %add3A_590 : vector<16xi32>
      tpu.vector_store_idx %arg5[%add3A_588, %add3A_591], %broadcast_in_dim3A_3 : memref<512x128xi32, #tpu.memory_space<vmem>>[vector<16xi32>, vector<16xi32>], vector<16xi32>,
      %get3A_592 = arith.constant 5 : i32
      %get3A_593 = arith.index_cast %get3A_592 : i32 to index
      %get3A_594 = arith.constant 64 : index
      %get3A_595 = tpu.vector_load %arg4[%get3A_593, %get3A_594] {strides = array<i32>} : memref<8x128xi32, #tpu.memory_space<vmem>>, vector<16xi32>,
      %mul3A_596 = arith.constant 8 : i32
      %mul3A_597 = vector.broadcast %mul3A_596 : i32 to vector<16xi32>
      %mul3A_598 = arith.muli %get3A_595, %mul3A_597 : vector<16xi32>
      %add3A_599 = arith.constant 5 : i32
      %add3A_600 = vector.broadcast %add3A_599 : i32 to vector<16xi32>
      %add3A_601 = arith.addi %mul3A_598, %add3A_600 : vector<16xi32>
      %add3A_602 = arith.constant 64 : i32
      %add3A_603 = vector.broadcast %add3A_602 : i32 to vector<16xi32>
      %add3A_604 = arith.addi %iota3A, %add3A_603 : vector<16xi32>
      tpu.vector_store_idx %arg5[%add3A_601, %add3A_604], %broadcast_in_dim3A_3 : memref<512x128xi32, #tpu.memory_space<vmem>>[vector<16xi32>, vector<16xi32>], vector<16xi32>,
      %get3A_605 = arith.constant 5 : i32
      %get3A_606 = arith.index_cast %get3A_605 : i32 to index
      %get3A_607 = arith.constant 80 : index
      %get3A_608 = tpu.vector_load %arg4[%get3A_606, %get3A_607] {strides = array<i32>} : memref<8x128xi32, #tpu.memory_space<vmem>>, vector<16xi32>,
      %mul3A_609 = arith.constant 8 : i32
      %mul3A_610 = vector.broadcast %mul3A_609 : i32 to vector<16xi32>
      %mul3A_611 = arith.muli %get3A_608, %mul3A_610 : vector<16xi32>
      %add3A_612 = arith.constant 5 : i32
      %add3A_613 = vector.broadcast %add3A_612 : i32 to vector<16xi32>
      %add3A_614 = arith.addi %mul3A_611, %add3A_613 : vector<16xi32>
      %add3A_615 = arith.constant 80 : i32
      %add3A_616 = vector.broadcast %add3A_615 : i32 to vector<16xi32>
      %add3A_617 = arith.addi %iota3A, %add3A_616 : vector<16xi32>
      tpu.vector_store_idx %arg5[%add3A_614, %add3A_617], %broadcast_in_dim3A_3 : memref<512x128xi32, #tpu.memory_space<vmem>>[vector<16xi32>, vector<16xi32>], vector<16xi32>,
      %get3A_618 = arith.constant 5 : i32
      %get3A_619 = arith.index_cast %get3A_618 : i32 to index
      %get3A_620 = arith.constant 96 : index
      %get3A_621 = tpu.vector_load %arg4[%get3A_619, %get3A_620] {strides = array<i32>} : memref<8x128xi32, #tpu.memory_space<vmem>>, vector<16xi32>,
      %mul3A_622 = arith.constant 8 : i32
      %mul3A_623 = vector.broadcast %mul3A_622 : i32 to vector<16xi32>
      %mul3A_624 = arith.muli %get3A_621, %mul3A_623 : vector<16xi32>
      %add3A_625 = arith.constant 5 : i32
      %add3A_626 = vector.broadcast %add3A_625 : i32 to vector<16xi32>
      %add3A_627 = arith.addi %mul3A_624, %add3A_626 : vector<16xi32>
      %add3A_628 = arith.constant 96 : i32
      %add3A_629 = vector.broadcast %add3A_628 : i32 to vector<16xi32>
      %add3A_630 = arith.addi %iota3A, %add3A_629 : vector<16xi32>
      tpu.vector_store_idx %arg5[%add3A_627, %add3A_630], %broadcast_in_dim3A_3 : memref<512x128xi32, #tpu.memory_space<vmem>>[vector<16xi32>, vector<16xi32>], vector<16xi32>,
      %get3A_631 = arith.constant 5 : i32
      %get3A_632 = arith.index_cast %get3A_631 : i32 to index
      %get3A_633 = arith.constant 112 : index
      %get3A_634 = tpu.vector_load %arg4[%get3A_632, %get3A_633] {strides = array<i32>} : memref<8x128xi32, #tpu.memory_space<vmem>>, vector<16xi32>,
      %mul3A_635 = arith.constant 8 : i32
      %mul3A_636 = vector.broadcast %mul3A_635 : i32 to vector<16xi32>
      %mul3A_637 = arith.muli %get3A_634, %mul3A_636 : vector<16xi32>
      %add3A_638 = arith.constant 5 : i32
      %add3A_639 = vector.broadcast %add3A_638 : i32 to vector<16xi32>
      %add3A_640 = arith.addi %mul3A_637, %add3A_639 : vector<16xi32>
      %add3A_641 = arith.constant 112 : i32
      %add3A_642 = vector.broadcast %add3A_641 : i32 to vector<16xi32>
      %add3A_643 = arith.addi %iota3A, %add3A_642 : vector<16xi32>
      tpu.vector_store_idx %arg5[%add3A_640, %add3A_643], %broadcast_in_dim3A_3 : memref<512x128xi32, #tpu.memory_space<vmem>>[vector<16xi32>, vector<16xi32>], vector<16xi32>,
      %get3A_644 = arith.constant 6 : i32
      %get3A_645 = arith.index_cast %get3A_644 : i32 to index
      %get3A_646 = arith.constant 0 : index
      %get3A_647 = tpu.vector_load %arg4[%get3A_645, %get3A_646] {strides = array<i32>} : memref<8x128xi32, #tpu.memory_space<vmem>>, vector<16xi32>,
      %mul3A_648 = arith.constant 8 : i32
      %mul3A_649 = vector.broadcast %mul3A_648 : i32 to vector<16xi32>
      %mul3A_650 = arith.muli %get3A_647, %mul3A_649 : vector<16xi32>
      %add3A_651 = arith.constant 6 : i32
      %add3A_652 = vector.broadcast %add3A_651 : i32 to vector<16xi32>
      %add3A_653 = arith.addi %mul3A_650, %add3A_652 : vector<16xi32>
      %add3A_654 = arith.constant 0 : i32
      %add3A_655 = vector.broadcast %add3A_654 : i32 to vector<16xi32>
      %add3A_656 = arith.addi %iota3A, %add3A_655 : vector<16xi32>
      tpu.vector_store_idx %arg5[%add3A_653, %add3A_656], %broadcast_in_dim3A_3 : memref<512x128xi32, #tpu.memory_space<vmem>>[vector<16xi32>, vector<16xi32>], vector<16xi32>,
      %get3A_657 = arith.constant 6 : i32
      %get3A_658 = arith.index_cast %get3A_657 : i32 to index
      %get3A_659 = arith.constant 16 : index
      %get3A_660 = tpu.vector_load %arg4[%get3A_658, %get3A_659] {strides = array<i32>} : memref<8x128xi32, #tpu.memory_space<vmem>>, vector<16xi32>,
      %mul3A_661 = arith.constant 8 : i32
      %mul3A_662 = vector.broadcast %mul3A_661 : i32 to vector<16xi32>
      %mul3A_663 = arith.muli %get3A_660, %mul3A_662 : vector<16xi32>
      %add3A_664 = arith.constant 6 : i32
      %add3A_665 = vector.broadcast %add3A_664 : i32 to vector<16xi32>
      %add3A_666 = arith.addi %mul3A_663, %add3A_665 : vector<16xi32>
      %add3A_667 = arith.constant 16 : i32
      %add3A_668 = vector.broadcast %add3A_667 : i32 to vector<16xi32>
      %add3A_669 = arith.addi %iota3A, %add3A_668 : vector<16xi32>
      tpu.vector_store_idx %arg5[%add3A_666, %add3A_669], %broadcast_in_dim3A_3 : memref<512x128xi32, #tpu.memory_space<vmem>>[vector<16xi32>, vector<16xi32>], vector<16xi32>,
      %get3A_670 = arith.constant 6 : i32
      %get3A_671 = arith.index_cast %get3A_670 : i32 to index
      %get3A_672 = arith.constant 32 : index
      %get3A_673 = tpu.vector_load %arg4[%get3A_671, %get3A_672] {strides = array<i32>} : memref<8x128xi32, #tpu.memory_space<vmem>>, vector<16xi32>,
      %mul3A_674 = arith.constant 8 : i32
      %mul3A_675 = vector.broadcast %mul3A_674 : i32 to vector<16xi32>
      %mul3A_676 = arith.muli %get3A_673, %mul3A_675 : vector<16xi32>
      %add3A_677 = arith.constant 6 : i32
      %add3A_678 = vector.broadcast %add3A_677 : i32 to vector<16xi32>
      %add3A_679 = arith.addi %mul3A_676, %add3A_678 : vector<16xi32>
      %add3A_680 = arith.constant 32 : i32
      %add3A_681 = vector.broadcast %add3A_680 : i32 to vector<16xi32>
      %add3A_682 = arith.addi %iota3A, %add3A_681 : vector<16xi32>
      tpu.vector_store_idx %arg5[%add3A_679, %add3A_682], %broadcast_in_dim3A_3 : memref<512x128xi32, #tpu.memory_space<vmem>>[vector<16xi32>, vector<16xi32>], vector<16xi32>,
      %get3A_683 = arith.constant 6 : i32
      %get3A_684 = arith.index_cast %get3A_683 : i32 to index
      %get3A_685 = arith.constant 48 : index
      %get3A_686 = tpu.vector_load %arg4[%get3A_684, %get3A_685] {strides = array<i32>} : memref<8x128xi32, #tpu.memory_space<vmem>>, vector<16xi32>,
      %mul3A_687 = arith.constant 8 : i32
      %mul3A_688 = vector.broadcast %mul3A_687 : i32 to vector<16xi32>
      %mul3A_689 = arith.muli %get3A_686, %mul3A_688 : vector<16xi32>
      %add3A_690 = arith.constant 6 : i32
      %add3A_691 = vector.broadcast %add3A_690 : i32 to vector<16xi32>
      %add3A_692 = arith.addi %mul3A_689, %add3A_691 : vector<16xi32>
      %add3A_693 = arith.constant 48 : i32
      %add3A_694 = vector.broadcast %add3A_693 : i32 to vector<16xi32>
      %add3A_695 = arith.addi %iota3A, %add3A_694 : vector<16xi32>
      tpu.vector_store_idx %arg5[%add3A_692, %add3A_695], %broadcast_in_dim3A_3 : memref<512x128xi32, #tpu.memory_space<vmem>>[vector<16xi32>, vector<16xi32>], vector<16xi32>,
      %get3A_696 = arith.constant 6 : i32
      %get3A_697 = arith.index_cast %get3A_696 : i32 to index
      %get3A_698 = arith.constant 64 : index
      %get3A_699 = tpu.vector_load %arg4[%get3A_697, %get3A_698] {strides = array<i32>} : memref<8x128xi32, #tpu.memory_space<vmem>>, vector<16xi32>,
      %mul3A_700 = arith.constant 8 : i32
      %mul3A_701 = vector.broadcast %mul3A_700 : i32 to vector<16xi32>
      %mul3A_702 = arith.muli %get3A_699, %mul3A_701 : vector<16xi32>
      %add3A_703 = arith.constant 6 : i32
      %add3A_704 = vector.broadcast %add3A_703 : i32 to vector<16xi32>
      %add3A_705 = arith.addi %mul3A_702, %add3A_704 : vector<16xi32>
      %add3A_706 = arith.constant 64 : i32
      %add3A_707 = vector.broadcast %add3A_706 : i32 to vector<16xi32>
      %add3A_708 = arith.addi %iota3A, %add3A_707 : vector<16xi32>
      tpu.vector_store_idx %arg5[%add3A_705, %add3A_708], %broadcast_in_dim3A_3 : memref<512x128xi32, #tpu.memory_space<vmem>>[vector<16xi32>, vector<16xi32>], vector<16xi32>,
      %get3A_709 = arith.constant 6 : i32
      %get3A_710 = arith.index_cast %get3A_709 : i32 to index
      %get3A_711 = arith.constant 80 : index
      %get3A_712 = tpu.vector_load %arg4[%get3A_710, %get3A_711] {strides = array<i32>} : memref<8x128xi32, #tpu.memory_space<vmem>>, vector<16xi32>,
      %mul3A_713 = arith.constant 8 : i32
      %mul3A_714 = vector.broadcast %mul3A_713 : i32 to vector<16xi32>
      %mul3A_715 = arith.muli %get3A_712, %mul3A_714 : vector<16xi32>
      %add3A_716 = arith.constant 6 : i32
      %add3A_717 = vector.broadcast %add3A_716 : i32 to vector<16xi32>
      %add3A_718 = arith.addi %mul3A_715, %add3A_717 : vector<16xi32>
      %add3A_719 = arith.constant 80 : i32
      %add3A_720 = vector.broadcast %add3A_719 : i32 to vector<16xi32>
      %add3A_721 = arith.addi %iota3A, %add3A_720 : vector<16xi32>
      tpu.vector_store_idx %arg5[%add3A_718, %add3A_721], %broadcast_in_dim3A_3 : memref<512x128xi32, #tpu.memory_space<vmem>>[vector<16xi32>, vector<16xi32>], vector<16xi32>,
      %get3A_722 = arith.constant 6 : i32
      %get3A_723 = arith.index_cast %get3A_722 : i32 to index
      %get3A_724 = arith.constant 96 : index
      %get3A_725 = tpu.vector_load %arg4[%get3A_723, %get3A_724] {strides = array<i32>} : memref<8x128xi32, #tpu.memory_space<vmem>>, vector<16xi32>,
      %mul3A_726 = arith.constant 8 : i32
      %mul3A_727 = vector.broadcast %mul3A_726 : i32 to vector<16xi32>
      %mul3A_728 = arith.muli %get3A_725, %mul3A_727 : vector<16xi32>
      %add3A_729 = arith.constant 6 : i32
      %add3A_730 = vector.broadcast %add3A_729 : i32 to vector<16xi32>
      %add3A_731 = arith.addi %mul3A_728, %add3A_730 : vector<16xi32>
      %add3A_732 = arith.constant 96 : i32
      %add3A_733 = vector.broadcast %add3A_732 : i32 to vector<16xi32>
      %add3A_734 = arith.addi %iota3A, %add3A_733 : vector<16xi32>
      tpu.vector_store_idx %arg5[%add3A_731, %add3A_734], %broadcast_in_dim3A_3 : memref<512x128xi32, #tpu.memory_space<vmem>>[vector<16xi32>, vector<16xi32>], vector<16xi32>,
      %get3A_735 = arith.constant 6 : i32
      %get3A_736 = arith.index_cast %get3A_735 : i32 to index
      %get3A_737 = arith.constant 112 : index
      %get3A_738 = tpu.vector_load %arg4[%get3A_736, %get3A_737] {strides = array<i32>} : memref<8x128xi32, #tpu.memory_space<vmem>>, vector<16xi32>,
      %mul3A_739 = arith.constant 8 : i32
      %mul3A_740 = vector.broadcast %mul3A_739 : i32 to vector<16xi32>
      %mul3A_741 = arith.muli %get3A_738, %mul3A_740 : vector<16xi32>
      %add3A_742 = arith.constant 6 : i32
      %add3A_743 = vector.broadcast %add3A_742 : i32 to vector<16xi32>
      %add3A_744 = arith.addi %mul3A_741, %add3A_743 : vector<16xi32>
      %add3A_745 = arith.constant 112 : i32
      %add3A_746 = vector.broadcast %add3A_745 : i32 to vector<16xi32>
      %add3A_747 = arith.addi %iota3A, %add3A_746 : vector<16xi32>
      tpu.vector_store_idx %arg5[%add3A_744, %add3A_747], %broadcast_in_dim3A_3 : memref<512x128xi32, #tpu.memory_space<vmem>>[vector<16xi32>, vector<16xi32>], vector<16xi32>,
      %get3A_748 = arith.constant 7 : i32
      %get3A_749 = arith.index_cast %get3A_748 : i32 to index
      %get3A_750 = arith.constant 0 : index
      %get3A_751 = tpu.vector_load %arg4[%get3A_749, %get3A_750] {strides = array<i32>} : memref<8x128xi32, #tpu.memory_space<vmem>>, vector<16xi32>,
      %mul3A_752 = arith.constant 8 : i32
      %mul3A_753 = vector.broadcast %mul3A_752 : i32 to vector<16xi32>
      %mul3A_754 = arith.muli %get3A_751, %mul3A_753 : vector<16xi32>
      %add3A_755 = arith.constant 7 : i32
      %add3A_756 = vector.broadcast %add3A_755 : i32 to vector<16xi32>
      %add3A_757 = arith.addi %mul3A_754, %add3A_756 : vector<16xi32>
      %add3A_758 = arith.constant 0 : i32
      %add3A_759 = vector.broadcast %add3A_758 : i32 to vector<16xi32>
      %add3A_760 = arith.addi %iota3A, %add3A_759 : vector<16xi32>
      tpu.vector_store_idx %arg5[%add3A_757, %add3A_760], %broadcast_in_dim3A_3 : memref<512x128xi32, #tpu.memory_space<vmem>>[vector<16xi32>, vector<16xi32>], vector<16xi32>,
      %get3A_761 = arith.constant 7 : i32
      %get3A_762 = arith.index_cast %get3A_761 : i32 to index
      %get3A_763 = arith.constant 16 : index
      %get3A_764 = tpu.vector_load %arg4[%get3A_762, %get3A_763] {strides = array<i32>} : memref<8x128xi32, #tpu.memory_space<vmem>>, vector<16xi32>,
      %mul3A_765 = arith.constant 8 : i32
      %mul3A_766 = vector.broadcast %mul3A_765 : i32 to vector<16xi32>
      %mul3A_767 = arith.muli %get3A_764, %mul3A_766 : vector<16xi32>
      %add3A_768 = arith.constant 7 : i32
      %add3A_769 = vector.broadcast %add3A_768 : i32 to vector<16xi32>
      %add3A_770 = arith.addi %mul3A_767, %add3A_769 : vector<16xi32>
      %add3A_771 = arith.constant 16 : i32
      %add3A_772 = vector.broadcast %add3A_771 : i32 to vector<16xi32>
      %add3A_773 = arith.addi %iota3A, %add3A_772 : vector<16xi32>
      tpu.vector_store_idx %arg5[%add3A_770, %add3A_773], %broadcast_in_dim3A_3 : memref<512x128xi32, #tpu.memory_space<vmem>>[vector<16xi32>, vector<16xi32>], vector<16xi32>,
      %get3A_774 = arith.constant 7 : i32
      %get3A_775 = arith.index_cast %get3A_774 : i32 to index
      %get3A_776 = arith.constant 32 : index
      %get3A_777 = tpu.vector_load %arg4[%get3A_775, %get3A_776] {strides = array<i32>} : memref<8x128xi32, #tpu.memory_space<vmem>>, vector<16xi32>,
      %mul3A_778 = arith.constant 8 : i32
      %mul3A_779 = vector.broadcast %mul3A_778 : i32 to vector<16xi32>
      %mul3A_780 = arith.muli %get3A_777, %mul3A_779 : vector<16xi32>
      %add3A_781 = arith.constant 7 : i32
      %add3A_782 = vector.broadcast %add3A_781 : i32 to vector<16xi32>
      %add3A_783 = arith.addi %mul3A_780, %add3A_782 : vector<16xi32>
      %add3A_784 = arith.constant 32 : i32
      %add3A_785 = vector.broadcast %add3A_784 : i32 to vector<16xi32>
      %add3A_786 = arith.addi %iota3A, %add3A_785 : vector<16xi32>
      tpu.vector_store_idx %arg5[%add3A_783, %add3A_786], %broadcast_in_dim3A_3 : memref<512x128xi32, #tpu.memory_space<vmem>>[vector<16xi32>, vector<16xi32>], vector<16xi32>,
      %get3A_787 = arith.constant 7 : i32
      %get3A_788 = arith.index_cast %get3A_787 : i32 to index
      %get3A_789 = arith.constant 48 : index
      %get3A_790 = tpu.vector_load %arg4[%get3A_788, %get3A_789] {strides = array<i32>} : memref<8x128xi32, #tpu.memory_space<vmem>>, vector<16xi32>,
      %mul3A_791 = arith.constant 8 : i32
      %mul3A_792 = vector.broadcast %mul3A_791 : i32 to vector<16xi32>
      %mul3A_793 = arith.muli %get3A_790, %mul3A_792 : vector<16xi32>
      %add3A_794 = arith.constant 7 : i32
      %add3A_795 = vector.broadcast %add3A_794 : i32 to vector<16xi32>
      %add3A_796 = arith.addi %mul3A_793, %add3A_795 : vector<16xi32>
      %add3A_797 = arith.constant 48 : i32
      %add3A_798 = vector.broadcast %add3A_797 : i32 to vector<16xi32>
      %add3A_799 = arith.addi %iota3A, %add3A_798 : vector<16xi32>
      tpu.vector_store_idx %arg5[%add3A_796, %add3A_799], %broadcast_in_dim3A_3 : memref<512x128xi32, #tpu.memory_space<vmem>>[vector<16xi32>, vector<16xi32>], vector<16xi32>,
      %get3A_800 = arith.constant 7 : i32
      %get3A_801 = arith.index_cast %get3A_800 : i32 to index
      %get3A_802 = arith.constant 64 : index
      %get3A_803 = tpu.vector_load %arg4[%get3A_801, %get3A_802] {strides = array<i32>} : memref<8x128xi32, #tpu.memory_space<vmem>>, vector<16xi32>,
      %mul3A_804 = arith.constant 8 : i32
      %mul3A_805 = vector.broadcast %mul3A_804 : i32 to vector<16xi32>
      %mul3A_806 = arith.muli %get3A_803, %mul3A_805 : vector<16xi32>
      %add3A_807 = arith.constant 7 : i32
      %add3A_808 = vector.broadcast %add3A_807 : i32 to vector<16xi32>
      %add3A_809 = arith.addi %mul3A_806, %add3A_808 : vector<16xi32>
      %add3A_810 = arith.constant 64 : i32
      %add3A_811 = vector.broadcast %add3A_810 : i32 to vector<16xi32>
      %add3A_812 = arith.addi %iota3A, %add3A_811 : vector<16xi32>
      tpu.vector_store_idx %arg5[%add3A_809, %add3A_812], %broadcast_in_dim3A_3 : memref<512x128xi32, #tpu.memory_space<vmem>>[vector<16xi32>, vector<16xi32>], vector<16xi32>,
      %get3A_813 = arith.constant 7 : i32
      %get3A_814 = arith.index_cast %get3A_813 : i32 to index
      %get3A_815 = arith.constant 80 : index
      %get3A_816 = tpu.vector_load %arg4[%get3A_814, %get3A_815] {strides = array<i32>} : memref<8x128xi32, #tpu.memory_space<vmem>>, vector<16xi32>,
      %mul3A_817 = arith.constant 8 : i32
      %mul3A_818 = vector.broadcast %mul3A_817 : i32 to vector<16xi32>
      %mul3A_819 = arith.muli %get3A_816, %mul3A_818 : vector<16xi32>
      %add3A_820 = arith.constant 7 : i32
      %add3A_821 = vector.broadcast %add3A_820 : i32 to vector<16xi32>
      %add3A_822 = arith.addi %mul3A_819, %add3A_821 : vector<16xi32>
      %add3A_823 = arith.constant 80 : i32
      %add3A_824 = vector.broadcast %add3A_823 : i32 to vector<16xi32>
      %add3A_825 = arith.addi %iota3A, %add3A_824 : vector<16xi32>
      tpu.vector_store_idx %arg5[%add3A_822, %add3A_825], %broadcast_in_dim3A_3 : memref<512x128xi32, #tpu.memory_space<vmem>>[vector<16xi32>, vector<16xi32>], vector<16xi32>,
      %get3A_826 = arith.constant 7 : i32
      %get3A_827 = arith.index_cast %get3A_826 : i32 to index
      %get3A_828 = arith.constant 96 : index
      %get3A_829 = tpu.vector_load %arg4[%get3A_827, %get3A_828] {strides = array<i32>} : memref<8x128xi32, #tpu.memory_space<vmem>>, vector<16xi32>,
      %mul3A_830 = arith.constant 8 : i32
      %mul3A_831 = vector.broadcast %mul3A_830 : i32 to vector<16xi32>
      %mul3A_832 = arith.muli %get3A_829, %mul3A_831 : vector<16xi32>
      %add3A_833 = arith.constant 7 : i32
      %add3A_834 = vector.broadcast %add3A_833 : i32 to vector<16xi32>
      %add3A_835 = arith.addi %mul3A_832, %add3A_834 : vector<16xi32>
      %add3A_836 = arith.constant 96 : i32
      %add3A_837 = vector.broadcast %add3A_836 : i32 to vector<16xi32>
      %add3A_838 = arith.addi %iota3A, %add3A_837 : vector<16xi32>
      tpu.vector_store_idx %arg5[%add3A_835, %add3A_838], %broadcast_in_dim3A_3 : memref<512x128xi32, #tpu.memory_space<vmem>>[vector<16xi32>, vector<16xi32>], vector<16xi32>,
      %get3A_839 = arith.constant 7 : i32
      %get3A_840 = arith.index_cast %get3A_839 : i32 to index
      %get3A_841 = arith.constant 112 : index
      %get3A_842 = tpu.vector_load %arg4[%get3A_840, %get3A_841] {strides = array<i32>} : memref<8x128xi32, #tpu.memory_space<vmem>>, vector<16xi32>,
      %mul3A_843 = arith.constant 8 : i32
      %mul3A_844 = vector.broadcast %mul3A_843 : i32 to vector<16xi32>
      %mul3A_845 = arith.muli %get3A_842, %mul3A_844 : vector<16xi32>
      %add3A_846 = arith.constant 7 : i32
      %add3A_847 = vector.broadcast %add3A_846 : i32 to vector<16xi32>
      %add3A_848 = arith.addi %mul3A_845, %add3A_847 : vector<16xi32>
      %add3A_849 = arith.constant 112 : i32
      %add3A_850 = vector.broadcast %add3A_849 : i32 to vector<16xi32>
      %add3A_851 = arith.addi %iota3A, %add3A_850 : vector<16xi32>
      tpu.vector_store_idx %arg5[%add3A_848, %add3A_851], %broadcast_in_dim3A_3 : memref<512x128xi32, #tpu.memory_space<vmem>>[vector<16xi32>, vector<16xi32>], vector<16xi32>,
      "tpu.region"() ({
        %run_scoped3A = tpu.sem_alloc : memref<!tpu.dma_semaphore, #tpu.memory_space<semaphore_mem>>
        %dma_start3A = arith.constant 0 : i32
        %dma_start3A_1684 = tpu.memref_slice %arg3[%dma_start3A, %add3A_20] : memref<512x65536xi32, #tpu.memory_space<hbm>> -> memref<512x128xi32, #tpu.memory_space<hbm>>
        %dma_start3A_1685 = arith.constant 0 : i32
        %dma_start3A_1686 = tpu.memref_slice %arg3[%dma_start3A_1685, %add3A_20] : memref<512x65536xi32, #tpu.memory_space<hbm>> -> memref<512x128xi32, #tpu.memory_space<hbm>>
        tpu.enqueue_dma source(%arg5 : memref<512x128xi32, #tpu.memory_space<vmem>>) target(%dma_start3A_1686 : memref<512x128xi32, #tpu.memory_space<hbm>>) target_semaphore(%run_scoped3A : memref<!tpu.dma_semaphore, #tpu.memory_space<semaphore_mem>>)
        %dma_wait3A = arith.constant 0 : i32
        %dma_wait3A_1687 = tpu.memref_slice %arg3[%dma_wait3A, %add3A_20] : memref<512x65536xi32, #tpu.memory_space<hbm>> -> memref<512x128xi32, #tpu.memory_space<hbm>>
        %dma_wait3A_1688 = arith.constant 0 : i32
        %dma_wait3A_1689 = tpu.memref_slice %arg3[%dma_wait3A_1688, %add3A_20] : memref<512x65536xi32, #tpu.memory_space<hbm>> -> memref<512x128xi32, #tpu.memory_space<hbm>>
        tpu.wait_dma2 semaphore(%run_scoped3A : memref<!tpu.dma_semaphore, #tpu.memory_space<semaphore_mem>>) src(%arg5 : memref<512x128xi32, #tpu.memory_space<vmem>>) dst(%dma_wait3A_1689 : memref<512x128xi32, #tpu.memory_space<hbm>>)
        tpu.yield
      }) : () -> ()
      %get3A_852 = arith.constant 0 : i32
      %get3A_853 = arith.index_cast %get3A_852 : i32 to index
      %get3A_854 = arith.constant 0 : index
      %get3A_855 = tpu.vector_load %arg4[%get3A_853, %get3A_854] {strides = array<i32>} : memref<8x128xi32, #tpu.memory_space<vmem>>, vector<16xi32>,
      %mul3A_856 = arith.constant 8 : i32
      %mul3A_857 = vector.broadcast %mul3A_856 : i32 to vector<16xi32>
      %mul3A_858 = arith.muli %get3A_855, %mul3A_857 : vector<16xi32>
      %add3A_859 = arith.constant 0 : i32
      %add3A_860 = vector.broadcast %add3A_859 : i32 to vector<16xi32>
      %add3A_861 = arith.addi %mul3A_858, %add3A_860 : vector<16xi32>
      %add3A_862 = arith.constant 0 : i32
      %add3A_863 = vector.broadcast %add3A_862 : i32 to vector<16xi32>
      %add3A_864 = arith.addi %iota3A, %add3A_863 : vector<16xi32>
      tpu.vector_store_idx %arg5[%add3A_861, %add3A_864], %broadcast_in_dim3A_5 : memref<512x128xi32, #tpu.memory_space<vmem>>[vector<16xi32>, vector<16xi32>], vector<16xi32>,
      %get3A_865 = arith.constant 0 : i32
      %get3A_866 = arith.index_cast %get3A_865 : i32 to index
      %get3A_867 = arith.constant 16 : index
      %get3A_868 = tpu.vector_load %arg4[%get3A_866, %get3A_867] {strides = array<i32>} : memref<8x128xi32, #tpu.memory_space<vmem>>, vector<16xi32>,
      %mul3A_869 = arith.constant 8 : i32
      %mul3A_870 = vector.broadcast %mul3A_869 : i32 to vector<16xi32>
      %mul3A_871 = arith.muli %get3A_868, %mul3A_870 : vector<16xi32>
      %add3A_872 = arith.constant 0 : i32
      %add3A_873 = vector.broadcast %add3A_872 : i32 to vector<16xi32>
      %add3A_874 = arith.addi %mul3A_871, %add3A_873 : vector<16xi32>
      %add3A_875 = arith.constant 16 : i32
      %add3A_876 = vector.broadcast %add3A_875 : i32 to vector<16xi32>
      %add3A_877 = arith.addi %iota3A, %add3A_876 : vector<16xi32>
      tpu.vector_store_idx %arg5[%add3A_874, %add3A_877], %broadcast_in_dim3A_5 : memref<512x128xi32, #tpu.memory_space<vmem>>[vector<16xi32>, vector<16xi32>], vector<16xi32>,
      %get3A_878 = arith.constant 0 : i32
      %get3A_879 = arith.index_cast %get3A_878 : i32 to index
      %get3A_880 = arith.constant 32 : index
      %get3A_881 = tpu.vector_load %arg4[%get3A_879, %get3A_880] {strides = array<i32>} : memref<8x128xi32, #tpu.memory_space<vmem>>, vector<16xi32>,
      %mul3A_882 = arith.constant 8 : i32
      %mul3A_883 = vector.broadcast %mul3A_882 : i32 to vector<16xi32>
      %mul3A_884 = arith.muli %get3A_881, %mul3A_883 : vector<16xi32>
      %add3A_885 = arith.constant 0 : i32
      %add3A_886 = vector.broadcast %add3A_885 : i32 to vector<16xi32>
      %add3A_887 = arith.addi %mul3A_884, %add3A_886 : vector<16xi32>
      %add3A_888 = arith.constant 32 : i32
      %add3A_889 = vector.broadcast %add3A_888 : i32 to vector<16xi32>
      %add3A_890 = arith.addi %iota3A, %add3A_889 : vector<16xi32>
      tpu.vector_store_idx %arg5[%add3A_887, %add3A_890], %broadcast_in_dim3A_5 : memref<512x128xi32, #tpu.memory_space<vmem>>[vector<16xi32>, vector<16xi32>], vector<16xi32>,
      %get3A_891 = arith.constant 0 : i32
      %get3A_892 = arith.index_cast %get3A_891 : i32 to index
      %get3A_893 = arith.constant 48 : index
      %get3A_894 = tpu.vector_load %arg4[%get3A_892, %get3A_893] {strides = array<i32>} : memref<8x128xi32, #tpu.memory_space<vmem>>, vector<16xi32>,
      %mul3A_895 = arith.constant 8 : i32
      %mul3A_896 = vector.broadcast %mul3A_895 : i32 to vector<16xi32>
      %mul3A_897 = arith.muli %get3A_894, %mul3A_896 : vector<16xi32>
      %add3A_898 = arith.constant 0 : i32
      %add3A_899 = vector.broadcast %add3A_898 : i32 to vector<16xi32>
      %add3A_900 = arith.addi %mul3A_897, %add3A_899 : vector<16xi32>
      %add3A_901 = arith.constant 48 : i32
      %add3A_902 = vector.broadcast %add3A_901 : i32 to vector<16xi32>
      %add3A_903 = arith.addi %iota3A, %add3A_902 : vector<16xi32>
      tpu.vector_store_idx %arg5[%add3A_900, %add3A_903], %broadcast_in_dim3A_5 : memref<512x128xi32, #tpu.memory_space<vmem>>[vector<16xi32>, vector<16xi32>], vector<16xi32>,
      %get3A_904 = arith.constant 0 : i32
      %get3A_905 = arith.index_cast %get3A_904 : i32 to index
      %get3A_906 = arith.constant 64 : index
      %get3A_907 = tpu.vector_load %arg4[%get3A_905, %get3A_906] {strides = array<i32>} : memref<8x128xi32, #tpu.memory_space<vmem>>, vector<16xi32>,
      %mul3A_908 = arith.constant 8 : i32
      %mul3A_909 = vector.broadcast %mul3A_908 : i32 to vector<16xi32>
      %mul3A_910 = arith.muli %get3A_907, %mul3A_909 : vector<16xi32>
      %add3A_911 = arith.constant 0 : i32
      %add3A_912 = vector.broadcast %add3A_911 : i32 to vector<16xi32>
      %add3A_913 = arith.addi %mul3A_910, %add3A_912 : vector<16xi32>
      %add3A_914 = arith.constant 64 : i32
      %add3A_915 = vector.broadcast %add3A_914 : i32 to vector<16xi32>
      %add3A_916 = arith.addi %iota3A, %add3A_915 : vector<16xi32>
      tpu.vector_store_idx %arg5[%add3A_913, %add3A_916], %broadcast_in_dim3A_5 : memref<512x128xi32, #tpu.memory_space<vmem>>[vector<16xi32>, vector<16xi32>], vector<16xi32>,
      %get3A_917 = arith.constant 0 : i32
      %get3A_918 = arith.index_cast %get3A_917 : i32 to index
      %get3A_919 = arith.constant 80 : index
      %get3A_920 = tpu.vector_load %arg4[%get3A_918, %get3A_919] {strides = array<i32>} : memref<8x128xi32, #tpu.memory_space<vmem>>, vector<16xi32>,
      %mul3A_921 = arith.constant 8 : i32
      %mul3A_922 = vector.broadcast %mul3A_921 : i32 to vector<16xi32>
      %mul3A_923 = arith.muli %get3A_920, %mul3A_922 : vector<16xi32>
      %add3A_924 = arith.constant 0 : i32
      %add3A_925 = vector.broadcast %add3A_924 : i32 to vector<16xi32>
      %add3A_926 = arith.addi %mul3A_923, %add3A_925 : vector<16xi32>
      %add3A_927 = arith.constant 80 : i32
      %add3A_928 = vector.broadcast %add3A_927 : i32 to vector<16xi32>
      %add3A_929 = arith.addi %iota3A, %add3A_928 : vector<16xi32>
      tpu.vector_store_idx %arg5[%add3A_926, %add3A_929], %broadcast_in_dim3A_5 : memref<512x128xi32, #tpu.memory_space<vmem>>[vector<16xi32>, vector<16xi32>], vector<16xi32>,
      %get3A_930 = arith.constant 0 : i32
      %get3A_931 = arith.index_cast %get3A_930 : i32 to index
      %get3A_932 = arith.constant 96 : index
      %get3A_933 = tpu.vector_load %arg4[%get3A_931, %get3A_932] {strides = array<i32>} : memref<8x128xi32, #tpu.memory_space<vmem>>, vector<16xi32>,
      %mul3A_934 = arith.constant 8 : i32
      %mul3A_935 = vector.broadcast %mul3A_934 : i32 to vector<16xi32>
      %mul3A_936 = arith.muli %get3A_933, %mul3A_935 : vector<16xi32>
      %add3A_937 = arith.constant 0 : i32
      %add3A_938 = vector.broadcast %add3A_937 : i32 to vector<16xi32>
      %add3A_939 = arith.addi %mul3A_936, %add3A_938 : vector<16xi32>
      %add3A_940 = arith.constant 96 : i32
      %add3A_941 = vector.broadcast %add3A_940 : i32 to vector<16xi32>
      %add3A_942 = arith.addi %iota3A, %add3A_941 : vector<16xi32>
      tpu.vector_store_idx %arg5[%add3A_939, %add3A_942], %broadcast_in_dim3A_5 : memref<512x128xi32, #tpu.memory_space<vmem>>[vector<16xi32>, vector<16xi32>], vector<16xi32>,
      %get3A_943 = arith.constant 0 : i32
      %get3A_944 = arith.index_cast %get3A_943 : i32 to index
      %get3A_945 = arith.constant 112 : index
      %get3A_946 = tpu.vector_load %arg4[%get3A_944, %get3A_945] {strides = array<i32>} : memref<8x128xi32, #tpu.memory_space<vmem>>, vector<16xi32>,
      %mul3A_947 = arith.constant 8 : i32
      %mul3A_948 = vector.broadcast %mul3A_947 : i32 to vector<16xi32>
      %mul3A_949 = arith.muli %get3A_946, %mul3A_948 : vector<16xi32>
      %add3A_950 = arith.constant 0 : i32
      %add3A_951 = vector.broadcast %add3A_950 : i32 to vector<16xi32>
      %add3A_952 = arith.addi %mul3A_949, %add3A_951 : vector<16xi32>
      %add3A_953 = arith.constant 112 : i32
      %add3A_954 = vector.broadcast %add3A_953 : i32 to vector<16xi32>
      %add3A_955 = arith.addi %iota3A, %add3A_954 : vector<16xi32>
      tpu.vector_store_idx %arg5[%add3A_952, %add3A_955], %broadcast_in_dim3A_5 : memref<512x128xi32, #tpu.memory_space<vmem>>[vector<16xi32>, vector<16xi32>], vector<16xi32>,
      %get3A_956 = arith.constant 1 : i32
      %get3A_957 = arith.index_cast %get3A_956 : i32 to index
      %get3A_958 = arith.constant 0 : index
      %get3A_959 = tpu.vector_load %arg4[%get3A_957, %get3A_958] {strides = array<i32>} : memref<8x128xi32, #tpu.memory_space<vmem>>, vector<16xi32>,
      %mul3A_960 = arith.constant 8 : i32
      %mul3A_961 = vector.broadcast %mul3A_960 : i32 to vector<16xi32>
      %mul3A_962 = arith.muli %get3A_959, %mul3A_961 : vector<16xi32>
      %add3A_963 = arith.constant 1 : i32
      %add3A_964 = vector.broadcast %add3A_963 : i32 to vector<16xi32>
      %add3A_965 = arith.addi %mul3A_962, %add3A_964 : vector<16xi32>
      %add3A_966 = arith.constant 0 : i32
      %add3A_967 = vector.broadcast %add3A_966 : i32 to vector<16xi32>
      %add3A_968 = arith.addi %iota3A, %add3A_967 : vector<16xi32>
      tpu.vector_store_idx %arg5[%add3A_965, %add3A_968], %broadcast_in_dim3A_5 : memref<512x128xi32, #tpu.memory_space<vmem>>[vector<16xi32>, vector<16xi32>], vector<16xi32>,
      %get3A_969 = arith.constant 1 : i32
      %get3A_970 = arith.index_cast %get3A_969 : i32 to index
      %get3A_971 = arith.constant 16 : index
      %get3A_972 = tpu.vector_load %arg4[%get3A_970, %get3A_971] {strides = array<i32>} : memref<8x128xi32, #tpu.memory_space<vmem>>, vector<16xi32>,
      %mul3A_973 = arith.constant 8 : i32
      %mul3A_974 = vector.broadcast %mul3A_973 : i32 to vector<16xi32>
      %mul3A_975 = arith.muli %get3A_972, %mul3A_974 : vector<16xi32>
      %add3A_976 = arith.constant 1 : i32
      %add3A_977 = vector.broadcast %add3A_976 : i32 to vector<16xi32>
      %add3A_978 = arith.addi %mul3A_975, %add3A_977 : vector<16xi32>
      %add3A_979 = arith.constant 16 : i32
      %add3A_980 = vector.broadcast %add3A_979 : i32 to vector<16xi32>
      %add3A_981 = arith.addi %iota3A, %add3A_980 : vector<16xi32>
      tpu.vector_store_idx %arg5[%add3A_978, %add3A_981], %broadcast_in_dim3A_5 : memref<512x128xi32, #tpu.memory_space<vmem>>[vector<16xi32>, vector<16xi32>], vector<16xi32>,
      %get3A_982 = arith.constant 1 : i32
      %get3A_983 = arith.index_cast %get3A_982 : i32 to index
      %get3A_984 = arith.constant 32 : index
      %get3A_985 = tpu.vector_load %arg4[%get3A_983, %get3A_984] {strides = array<i32>} : memref<8x128xi32, #tpu.memory_space<vmem>>, vector<16xi32>,
      %mul3A_986 = arith.constant 8 : i32
      %mul3A_987 = vector.broadcast %mul3A_986 : i32 to vector<16xi32>
      %mul3A_988 = arith.muli %get3A_985, %mul3A_987 : vector<16xi32>
      %add3A_989 = arith.constant 1 : i32
      %add3A_990 = vector.broadcast %add3A_989 : i32 to vector<16xi32>
      %add3A_991 = arith.addi %mul3A_988, %add3A_990 : vector<16xi32>
      %add3A_992 = arith.constant 32 : i32
      %add3A_993 = vector.broadcast %add3A_992 : i32 to vector<16xi32>
      %add3A_994 = arith.addi %iota3A, %add3A_993 : vector<16xi32>
      tpu.vector_store_idx %arg5[%add3A_991, %add3A_994], %broadcast_in_dim3A_5 : memref<512x128xi32, #tpu.memory_space<vmem>>[vector<16xi32>, vector<16xi32>], vector<16xi32>,
      %get3A_995 = arith.constant 1 : i32
      %get3A_996 = arith.index_cast %get3A_995 : i32 to index
      %get3A_997 = arith.constant 48 : index
      %get3A_998 = tpu.vector_load %arg4[%get3A_996, %get3A_997] {strides = array<i32>} : memref<8x128xi32, #tpu.memory_space<vmem>>, vector<16xi32>,
      %mul3A_999 = arith.constant 8 : i32
      %mul3A_1000 = vector.broadcast %mul3A_999 : i32 to vector<16xi32>
      %mul3A_1001 = arith.muli %get3A_998, %mul3A_1000 : vector<16xi32>
      %add3A_1002 = arith.constant 1 : i32
      %add3A_1003 = vector.broadcast %add3A_1002 : i32 to vector<16xi32>
      %add3A_1004 = arith.addi %mul3A_1001, %add3A_1003 : vector<16xi32>
      %add3A_1005 = arith.constant 48 : i32
      %add3A_1006 = vector.broadcast %add3A_1005 : i32 to vector<16xi32>
      %add3A_1007 = arith.addi %iota3A, %add3A_1006 : vector<16xi32>
      tpu.vector_store_idx %arg5[%add3A_1004, %add3A_1007], %broadcast_in_dim3A_5 : memref<512x128xi32, #tpu.memory_space<vmem>>[vector<16xi32>, vector<16xi32>], vector<16xi32>,
      %get3A_1008 = arith.constant 1 : i32
      %get3A_1009 = arith.index_cast %get3A_1008 : i32 to index
      %get3A_1010 = arith.constant 64 : index
      %get3A_1011 = tpu.vector_load %arg4[%get3A_1009, %get3A_1010] {strides = array<i32>} : memref<8x128xi32, #tpu.memory_space<vmem>>, vector<16xi32>,
      %mul3A_1012 = arith.constant 8 : i32
      %mul3A_1013 = vector.broadcast %mul3A_1012 : i32 to vector<16xi32>
      %mul3A_1014 = arith.muli %get3A_1011, %mul3A_1013 : vector<16xi32>
      %add3A_1015 = arith.constant 1 : i32
      %add3A_1016 = vector.broadcast %add3A_1015 : i32 to vector<16xi32>
      %add3A_1017 = arith.addi %mul3A_1014, %add3A_1016 : vector<16xi32>
      %add3A_1018 = arith.constant 64 : i32
      %add3A_1019 = vector.broadcast %add3A_1018 : i32 to vector<16xi32>
      %add3A_1020 = arith.addi %iota3A, %add3A_1019 : vector<16xi32>
      tpu.vector_store_idx %arg5[%add3A_1017, %add3A_1020], %broadcast_in_dim3A_5 : memref<512x128xi32, #tpu.memory_space<vmem>>[vector<16xi32>, vector<16xi32>], vector<16xi32>,
      %get3A_1021 = arith.constant 1 : i32
      %get3A_1022 = arith.index_cast %get3A_1021 : i32 to index
      %get3A_1023 = arith.constant 80 : index
      %get3A_1024 = tpu.vector_load %arg4[%get3A_1022, %get3A_1023] {strides = array<i32>} : memref<8x128xi32, #tpu.memory_space<vmem>>, vector<16xi32>,
      %mul3A_1025 = arith.constant 8 : i32
      %mul3A_1026 = vector.broadcast %mul3A_1025 : i32 to vector<16xi32>
      %mul3A_1027 = arith.muli %get3A_1024, %mul3A_1026 : vector<16xi32>
      %add3A_1028 = arith.constant 1 : i32
      %add3A_1029 = vector.broadcast %add3A_1028 : i32 to vector<16xi32>
      %add3A_1030 = arith.addi %mul3A_1027, %add3A_1029 : vector<16xi32>
      %add3A_1031 = arith.constant 80 : i32
      %add3A_1032 = vector.broadcast %add3A_1031 : i32 to vector<16xi32>
      %add3A_1033 = arith.addi %iota3A, %add3A_1032 : vector<16xi32>
      tpu.vector_store_idx %arg5[%add3A_1030, %add3A_1033], %broadcast_in_dim3A_5 : memref<512x128xi32, #tpu.memory_space<vmem>>[vector<16xi32>, vector<16xi32>], vector<16xi32>,
      %get3A_1034 = arith.constant 1 : i32
      %get3A_1035 = arith.index_cast %get3A_1034 : i32 to index
      %get3A_1036 = arith.constant 96 : index
      %get3A_1037 = tpu.vector_load %arg4[%get3A_1035, %get3A_1036] {strides = array<i32>} : memref<8x128xi32, #tpu.memory_space<vmem>>, vector<16xi32>,
      %mul3A_1038 = arith.constant 8 : i32
      %mul3A_1039 = vector.broadcast %mul3A_1038 : i32 to vector<16xi32>
      %mul3A_1040 = arith.muli %get3A_1037, %mul3A_1039 : vector<16xi32>
      %add3A_1041 = arith.constant 1 : i32
      %add3A_1042 = vector.broadcast %add3A_1041 : i32 to vector<16xi32>
      %add3A_1043 = arith.addi %mul3A_1040, %add3A_1042 : vector<16xi32>
      %add3A_1044 = arith.constant 96 : i32
      %add3A_1045 = vector.broadcast %add3A_1044 : i32 to vector<16xi32>
      %add3A_1046 = arith.addi %iota3A, %add3A_1045 : vector<16xi32>
      tpu.vector_store_idx %arg5[%add3A_1043, %add3A_1046], %broadcast_in_dim3A_5 : memref<512x128xi32, #tpu.memory_space<vmem>>[vector<16xi32>, vector<16xi32>], vector<16xi32>,
      %get3A_1047 = arith.constant 1 : i32
      %get3A_1048 = arith.index_cast %get3A_1047 : i32 to index
      %get3A_1049 = arith.constant 112 : index
      %get3A_1050 = tpu.vector_load %arg4[%get3A_1048, %get3A_1049] {strides = array<i32>} : memref<8x128xi32, #tpu.memory_space<vmem>>, vector<16xi32>,
      %mul3A_1051 = arith.constant 8 : i32
      %mul3A_1052 = vector.broadcast %mul3A_1051 : i32 to vector<16xi32>
      %mul3A_1053 = arith.muli %get3A_1050, %mul3A_1052 : vector<16xi32>
      %add3A_1054 = arith.constant 1 : i32
      %add3A_1055 = vector.broadcast %add3A_1054 : i32 to vector<16xi32>
      %add3A_1056 = arith.addi %mul3A_1053, %add3A_1055 : vector<16xi32>
      %add3A_1057 = arith.constant 112 : i32
      %add3A_1058 = vector.broadcast %add3A_1057 : i32 to vector<16xi32>
      %add3A_1059 = arith.addi %iota3A, %add3A_1058 : vector<16xi32>
      tpu.vector_store_idx %arg5[%add3A_1056, %add3A_1059], %broadcast_in_dim3A_5 : memref<512x128xi32, #tpu.memory_space<vmem>>[vector<16xi32>, vector<16xi32>], vector<16xi32>,
      %get3A_1060 = arith.constant 2 : i32
      %get3A_1061 = arith.index_cast %get3A_1060 : i32 to index
      %get3A_1062 = arith.constant 0 : index
      %get3A_1063 = tpu.vector_load %arg4[%get3A_1061, %get3A_1062] {strides = array<i32>} : memref<8x128xi32, #tpu.memory_space<vmem>>, vector<16xi32>,
      %mul3A_1064 = arith.constant 8 : i32
      %mul3A_1065 = vector.broadcast %mul3A_1064 : i32 to vector<16xi32>
      %mul3A_1066 = arith.muli %get3A_1063, %mul3A_1065 : vector<16xi32>
      %add3A_1067 = arith.constant 2 : i32
      %add3A_1068 = vector.broadcast %add3A_1067 : i32 to vector<16xi32>
      %add3A_1069 = arith.addi %mul3A_1066, %add3A_1068 : vector<16xi32>
      %add3A_1070 = arith.constant 0 : i32
      %add3A_1071 = vector.broadcast %add3A_1070 : i32 to vector<16xi32>
      %add3A_1072 = arith.addi %iota3A, %add3A_1071 : vector<16xi32>
      tpu.vector_store_idx %arg5[%add3A_1069, %add3A_1072], %broadcast_in_dim3A_5 : memref<512x128xi32, #tpu.memory_space<vmem>>[vector<16xi32>, vector<16xi32>], vector<16xi32>,
      %get3A_1073 = arith.constant 2 : i32
      %get3A_1074 = arith.index_cast %get3A_1073 : i32 to index
      %get3A_1075 = arith.constant 16 : index
      %get3A_1076 = tpu.vector_load %arg4[%get3A_1074, %get3A_1075] {strides = array<i32>} : memref<8x128xi32, #tpu.memory_space<vmem>>, vector<16xi32>,
      %mul3A_1077 = arith.constant 8 : i32
      %mul3A_1078 = vector.broadcast %mul3A_1077 : i32 to vector<16xi32>
      %mul3A_1079 = arith.muli %get3A_1076, %mul3A_1078 : vector<16xi32>
      %add3A_1080 = arith.constant 2 : i32
      %add3A_1081 = vector.broadcast %add3A_1080 : i32 to vector<16xi32>
      %add3A_1082 = arith.addi %mul3A_1079, %add3A_1081 : vector<16xi32>
      %add3A_1083 = arith.constant 16 : i32
      %add3A_1084 = vector.broadcast %add3A_1083 : i32 to vector<16xi32>
      %add3A_1085 = arith.addi %iota3A, %add3A_1084 : vector<16xi32>
      tpu.vector_store_idx %arg5[%add3A_1082, %add3A_1085], %broadcast_in_dim3A_5 : memref<512x128xi32, #tpu.memory_space<vmem>>[vector<16xi32>, vector<16xi32>], vector<16xi32>,
      %get3A_1086 = arith.constant 2 : i32
      %get3A_1087 = arith.index_cast %get3A_1086 : i32 to index
      %get3A_1088 = arith.constant 32 : index
      %get3A_1089 = tpu.vector_load %arg4[%get3A_1087, %get3A_1088] {strides = array<i32>} : memref<8x128xi32, #tpu.memory_space<vmem>>, vector<16xi32>,
      %mul3A_1090 = arith.constant 8 : i32
      %mul3A_1091 = vector.broadcast %mul3A_1090 : i32 to vector<16xi32>
      %mul3A_1092 = arith.muli %get3A_1089, %mul3A_1091 : vector<16xi32>
      %add3A_1093 = arith.constant 2 : i32
      %add3A_1094 = vector.broadcast %add3A_1093 : i32 to vector<16xi32>
      %add3A_1095 = arith.addi %mul3A_1092, %add3A_1094 : vector<16xi32>
      %add3A_1096 = arith.constant 32 : i32
      %add3A_1097 = vector.broadcast %add3A_1096 : i32 to vector<16xi32>
      %add3A_1098 = arith.addi %iota3A, %add3A_1097 : vector<16xi32>
      tpu.vector_store_idx %arg5[%add3A_1095, %add3A_1098], %broadcast_in_dim3A_5 : memref<512x128xi32, #tpu.memory_space<vmem>>[vector<16xi32>, vector<16xi32>], vector<16xi32>,
      %get3A_1099 = arith.constant 2 : i32
      %get3A_1100 = arith.index_cast %get3A_1099 : i32 to index
      %get3A_1101 = arith.constant 48 : index
      %get3A_1102 = tpu.vector_load %arg4[%get3A_1100, %get3A_1101] {strides = array<i32>} : memref<8x128xi32, #tpu.memory_space<vmem>>, vector<16xi32>,
      %mul3A_1103 = arith.constant 8 : i32
      %mul3A_1104 = vector.broadcast %mul3A_1103 : i32 to vector<16xi32>
      %mul3A_1105 = arith.muli %get3A_1102, %mul3A_1104 : vector<16xi32>
      %add3A_1106 = arith.constant 2 : i32
      %add3A_1107 = vector.broadcast %add3A_1106 : i32 to vector<16xi32>
      %add3A_1108 = arith.addi %mul3A_1105, %add3A_1107 : vector<16xi32>
      %add3A_1109 = arith.constant 48 : i32
      %add3A_1110 = vector.broadcast %add3A_1109 : i32 to vector<16xi32>
      %add3A_1111 = arith.addi %iota3A, %add3A_1110 : vector<16xi32>
      tpu.vector_store_idx %arg5[%add3A_1108, %add3A_1111], %broadcast_in_dim3A_5 : memref<512x128xi32, #tpu.memory_space<vmem>>[vector<16xi32>, vector<16xi32>], vector<16xi32>,
      %get3A_1112 = arith.constant 2 : i32
      %get3A_1113 = arith.index_cast %get3A_1112 : i32 to index
      %get3A_1114 = arith.constant 64 : index
      %get3A_1115 = tpu.vector_load %arg4[%get3A_1113, %get3A_1114] {strides = array<i32>} : memref<8x128xi32, #tpu.memory_space<vmem>>, vector<16xi32>,
      %mul3A_1116 = arith.constant 8 : i32
      %mul3A_1117 = vector.broadcast %mul3A_1116 : i32 to vector<16xi32>
      %mul3A_1118 = arith.muli %get3A_1115, %mul3A_1117 : vector<16xi32>
      %add3A_1119 = arith.constant 2 : i32
      %add3A_1120 = vector.broadcast %add3A_1119 : i32 to vector<16xi32>
      %add3A_1121 = arith.addi %mul3A_1118, %add3A_1120 : vector<16xi32>
      %add3A_1122 = arith.constant 64 : i32
      %add3A_1123 = vector.broadcast %add3A_1122 : i32 to vector<16xi32>
      %add3A_1124 = arith.addi %iota3A, %add3A_1123 : vector<16xi32>
      tpu.vector_store_idx %arg5[%add3A_1121, %add3A_1124], %broadcast_in_dim3A_5 : memref<512x128xi32, #tpu.memory_space<vmem>>[vector<16xi32>, vector<16xi32>], vector<16xi32>,
      %get3A_1125 = arith.constant 2 : i32
      %get3A_1126 = arith.index_cast %get3A_1125 : i32 to index
      %get3A_1127 = arith.constant 80 : index
      %get3A_1128 = tpu.vector_load %arg4[%get3A_1126, %get3A_1127] {strides = array<i32>} : memref<8x128xi32, #tpu.memory_space<vmem>>, vector<16xi32>,
      %mul3A_1129 = arith.constant 8 : i32
      %mul3A_1130 = vector.broadcast %mul3A_1129 : i32 to vector<16xi32>
      %mul3A_1131 = arith.muli %get3A_1128, %mul3A_1130 : vector<16xi32>
      %add3A_1132 = arith.constant 2 : i32
      %add3A_1133 = vector.broadcast %add3A_1132 : i32 to vector<16xi32>
      %add3A_1134 = arith.addi %mul3A_1131, %add3A_1133 : vector<16xi32>
      %add3A_1135 = arith.constant 80 : i32
      %add3A_1136 = vector.broadcast %add3A_1135 : i32 to vector<16xi32>
      %add3A_1137 = arith.addi %iota3A, %add3A_1136 : vector<16xi32>
      tpu.vector_store_idx %arg5[%add3A_1134, %add3A_1137], %broadcast_in_dim3A_5 : memref<512x128xi32, #tpu.memory_space<vmem>>[vector<16xi32>, vector<16xi32>], vector<16xi32>,
      %get3A_1138 = arith.constant 2 : i32
      %get3A_1139 = arith.index_cast %get3A_1138 : i32 to index
      %get3A_1140 = arith.constant 96 : index
      %get3A_1141 = tpu.vector_load %arg4[%get3A_1139, %get3A_1140] {strides = array<i32>} : memref<8x128xi32, #tpu.memory_space<vmem>>, vector<16xi32>,
      %mul3A_1142 = arith.constant 8 : i32
      %mul3A_1143 = vector.broadcast %mul3A_1142 : i32 to vector<16xi32>
      %mul3A_1144 = arith.muli %get3A_1141, %mul3A_1143 : vector<16xi32>
      %add3A_1145 = arith.constant 2 : i32
      %add3A_1146 = vector.broadcast %add3A_1145 : i32 to vector<16xi32>
      %add3A_1147 = arith.addi %mul3A_1144, %add3A_1146 : vector<16xi32>
      %add3A_1148 = arith.constant 96 : i32
      %add3A_1149 = vector.broadcast %add3A_1148 : i32 to vector<16xi32>
      %add3A_1150 = arith.addi %iota3A, %add3A_1149 : vector<16xi32>
      tpu.vector_store_idx %arg5[%add3A_1147, %add3A_1150], %broadcast_in_dim3A_5 : memref<512x128xi32, #tpu.memory_space<vmem>>[vector<16xi32>, vector<16xi32>], vector<16xi32>,
      %get3A_1151 = arith.constant 2 : i32
      %get3A_1152 = arith.index_cast %get3A_1151 : i32 to index
      %get3A_1153 = arith.constant 112 : index
      %get3A_1154 = tpu.vector_load %arg4[%get3A_1152, %get3A_1153] {strides = array<i32>} : memref<8x128xi32, #tpu.memory_space<vmem>>, vector<16xi32>,
      %mul3A_1155 = arith.constant 8 : i32
      %mul3A_1156 = vector.broadcast %mul3A_1155 : i32 to vector<16xi32>
      %mul3A_1157 = arith.muli %get3A_1154, %mul3A_1156 : vector<16xi32>
      %add3A_1158 = arith.constant 2 : i32
      %add3A_1159 = vector.broadcast %add3A_1158 : i32 to vector<16xi32>
      %add3A_1160 = arith.addi %mul3A_1157, %add3A_1159 : vector<16xi32>
      %add3A_1161 = arith.constant 112 : i32
      %add3A_1162 = vector.broadcast %add3A_1161 : i32 to vector<16xi32>
      %add3A_1163 = arith.addi %iota3A, %add3A_1162 : vector<16xi32>
      tpu.vector_store_idx %arg5[%add3A_1160, %add3A_1163], %broadcast_in_dim3A_5 : memref<512x128xi32, #tpu.memory_space<vmem>>[vector<16xi32>, vector<16xi32>], vector<16xi32>,
      %get3A_1164 = arith.constant 3 : i32
      %get3A_1165 = arith.index_cast %get3A_1164 : i32 to index
      %get3A_1166 = arith.constant 0 : index
      %get3A_1167 = tpu.vector_load %arg4[%get3A_1165, %get3A_1166] {strides = array<i32>} : memref<8x128xi32, #tpu.memory_space<vmem>>, vector<16xi32>,
      %mul3A_1168 = arith.constant 8 : i32
      %mul3A_1169 = vector.broadcast %mul3A_1168 : i32 to vector<16xi32>
      %mul3A_1170 = arith.muli %get3A_1167, %mul3A_1169 : vector<16xi32>
      %add3A_1171 = arith.constant 3 : i32
      %add3A_1172 = vector.broadcast %add3A_1171 : i32 to vector<16xi32>
      %add3A_1173 = arith.addi %mul3A_1170, %add3A_1172 : vector<16xi32>
      %add3A_1174 = arith.constant 0 : i32
      %add3A_1175 = vector.broadcast %add3A_1174 : i32 to vector<16xi32>
      %add3A_1176 = arith.addi %iota3A, %add3A_1175 : vector<16xi32>
      tpu.vector_store_idx %arg5[%add3A_1173, %add3A_1176], %broadcast_in_dim3A_5 : memref<512x128xi32, #tpu.memory_space<vmem>>[vector<16xi32>, vector<16xi32>], vector<16xi32>,
      %get3A_1177 = arith.constant 3 : i32
      %get3A_1178 = arith.index_cast %get3A_1177 : i32 to index
      %get3A_1179 = arith.constant 16 : index
      %get3A_1180 = tpu.vector_load %arg4[%get3A_1178, %get3A_1179] {strides = array<i32>} : memref<8x128xi32, #tpu.memory_space<vmem>>, vector<16xi32>,
      %mul3A_1181 = arith.constant 8 : i32
      %mul3A_1182 = vector.broadcast %mul3A_1181 : i32 to vector<16xi32>
      %mul3A_1183 = arith.muli %get3A_1180, %mul3A_1182 : vector<16xi32>
      %add3A_1184 = arith.constant 3 : i32
      %add3A_1185 = vector.broadcast %add3A_1184 : i32 to vector<16xi32>
      %add3A_1186 = arith.addi %mul3A_1183, %add3A_1185 : vector<16xi32>
      %add3A_1187 = arith.constant 16 : i32
      %add3A_1188 = vector.broadcast %add3A_1187 : i32 to vector<16xi32>
      %add3A_1189 = arith.addi %iota3A, %add3A_1188 : vector<16xi32>
      tpu.vector_store_idx %arg5[%add3A_1186, %add3A_1189], %broadcast_in_dim3A_5 : memref<512x128xi32, #tpu.memory_space<vmem>>[vector<16xi32>, vector<16xi32>], vector<16xi32>,
      %get3A_1190 = arith.constant 3 : i32
      %get3A_1191 = arith.index_cast %get3A_1190 : i32 to index
      %get3A_1192 = arith.constant 32 : index
      %get3A_1193 = tpu.vector_load %arg4[%get3A_1191, %get3A_1192] {strides = array<i32>} : memref<8x128xi32, #tpu.memory_space<vmem>>, vector<16xi32>,
      %mul3A_1194 = arith.constant 8 : i32
      %mul3A_1195 = vector.broadcast %mul3A_1194 : i32 to vector<16xi32>
      %mul3A_1196 = arith.muli %get3A_1193, %mul3A_1195 : vector<16xi32>
      %add3A_1197 = arith.constant 3 : i32
      %add3A_1198 = vector.broadcast %add3A_1197 : i32 to vector<16xi32>
      %add3A_1199 = arith.addi %mul3A_1196, %add3A_1198 : vector<16xi32>
      %add3A_1200 = arith.constant 32 : i32
      %add3A_1201 = vector.broadcast %add3A_1200 : i32 to vector<16xi32>
      %add3A_1202 = arith.addi %iota3A, %add3A_1201 : vector<16xi32>
      tpu.vector_store_idx %arg5[%add3A_1199, %add3A_1202], %broadcast_in_dim3A_5 : memref<512x128xi32, #tpu.memory_space<vmem>>[vector<16xi32>, vector<16xi32>], vector<16xi32>,
      %get3A_1203 = arith.constant 3 : i32
      %get3A_1204 = arith.index_cast %get3A_1203 : i32 to index
      %get3A_1205 = arith.constant 48 : index
      %get3A_1206 = tpu.vector_load %arg4[%get3A_1204, %get3A_1205] {strides = array<i32>} : memref<8x128xi32, #tpu.memory_space<vmem>>, vector<16xi32>,
      %mul3A_1207 = arith.constant 8 : i32
      %mul3A_1208 = vector.broadcast %mul3A_1207 : i32 to vector<16xi32>
      %mul3A_1209 = arith.muli %get3A_1206, %mul3A_1208 : vector<16xi32>
      %add3A_1210 = arith.constant 3 : i32
      %add3A_1211 = vector.broadcast %add3A_1210 : i32 to vector<16xi32>
      %add3A_1212 = arith.addi %mul3A_1209, %add3A_1211 : vector<16xi32>
      %add3A_1213 = arith.constant 48 : i32
      %add3A_1214 = vector.broadcast %add3A_1213 : i32 to vector<16xi32>
      %add3A_1215 = arith.addi %iota3A, %add3A_1214 : vector<16xi32>
      tpu.vector_store_idx %arg5[%add3A_1212, %add3A_1215], %broadcast_in_dim3A_5 : memref<512x128xi32, #tpu.memory_space<vmem>>[vector<16xi32>, vector<16xi32>], vector<16xi32>,
      %get3A_1216 = arith.constant 3 : i32
      %get3A_1217 = arith.index_cast %get3A_1216 : i32 to index
      %get3A_1218 = arith.constant 64 : index
      %get3A_1219 = tpu.vector_load %arg4[%get3A_1217, %get3A_1218] {strides = array<i32>} : memref<8x128xi32, #tpu.memory_space<vmem>>, vector<16xi32>,
      %mul3A_1220 = arith.constant 8 : i32
      %mul3A_1221 = vector.broadcast %mul3A_1220 : i32 to vector<16xi32>
      %mul3A_1222 = arith.muli %get3A_1219, %mul3A_1221 : vector<16xi32>
      %add3A_1223 = arith.constant 3 : i32
      %add3A_1224 = vector.broadcast %add3A_1223 : i32 to vector<16xi32>
      %add3A_1225 = arith.addi %mul3A_1222, %add3A_1224 : vector<16xi32>
      %add3A_1226 = arith.constant 64 : i32
      %add3A_1227 = vector.broadcast %add3A_1226 : i32 to vector<16xi32>
      %add3A_1228 = arith.addi %iota3A, %add3A_1227 : vector<16xi32>
      tpu.vector_store_idx %arg5[%add3A_1225, %add3A_1228], %broadcast_in_dim3A_5 : memref<512x128xi32, #tpu.memory_space<vmem>>[vector<16xi32>, vector<16xi32>], vector<16xi32>,
      %get3A_1229 = arith.constant 3 : i32
      %get3A_1230 = arith.index_cast %get3A_1229 : i32 to index
      %get3A_1231 = arith.constant 80 : index
      %get3A_1232 = tpu.vector_load %arg4[%get3A_1230, %get3A_1231] {strides = array<i32>} : memref<8x128xi32, #tpu.memory_space<vmem>>, vector<16xi32>,
      %mul3A_1233 = arith.constant 8 : i32
      %mul3A_1234 = vector.broadcast %mul3A_1233 : i32 to vector<16xi32>
      %mul3A_1235 = arith.muli %get3A_1232, %mul3A_1234 : vector<16xi32>
      %add3A_1236 = arith.constant 3 : i32
      %add3A_1237 = vector.broadcast %add3A_1236 : i32 to vector<16xi32>
      %add3A_1238 = arith.addi %mul3A_1235, %add3A_1237 : vector<16xi32>
      %add3A_1239 = arith.constant 80 : i32
      %add3A_1240 = vector.broadcast %add3A_1239 : i32 to vector<16xi32>
      %add3A_1241 = arith.addi %iota3A, %add3A_1240 : vector<16xi32>
      tpu.vector_store_idx %arg5[%add3A_1238, %add3A_1241], %broadcast_in_dim3A_5 : memref<512x128xi32, #tpu.memory_space<vmem>>[vector<16xi32>, vector<16xi32>], vector<16xi32>,
      %get3A_1242 = arith.constant 3 : i32
      %get3A_1243 = arith.index_cast %get3A_1242 : i32 to index
      %get3A_1244 = arith.constant 96 : index
      %get3A_1245 = tpu.vector_load %arg4[%get3A_1243, %get3A_1244] {strides = array<i32>} : memref<8x128xi32, #tpu.memory_space<vmem>>, vector<16xi32>,
      %mul3A_1246 = arith.constant 8 : i32
      %mul3A_1247 = vector.broadcast %mul3A_1246 : i32 to vector<16xi32>
      %mul3A_1248 = arith.muli %get3A_1245, %mul3A_1247 : vector<16xi32>
      %add3A_1249 = arith.constant 3 : i32
      %add3A_1250 = vector.broadcast %add3A_1249 : i32 to vector<16xi32>
      %add3A_1251 = arith.addi %mul3A_1248, %add3A_1250 : vector<16xi32>
      %add3A_1252 = arith.constant 96 : i32
      %add3A_1253 = vector.broadcast %add3A_1252 : i32 to vector<16xi32>
      %add3A_1254 = arith.addi %iota3A, %add3A_1253 : vector<16xi32>
      tpu.vector_store_idx %arg5[%add3A_1251, %add3A_1254], %broadcast_in_dim3A_5 : memref<512x128xi32, #tpu.memory_space<vmem>>[vector<16xi32>, vector<16xi32>], vector<16xi32>,
      %get3A_1255 = arith.constant 3 : i32
      %get3A_1256 = arith.index_cast %get3A_1255 : i32 to index
      %get3A_1257 = arith.constant 112 : index
      %get3A_1258 = tpu.vector_load %arg4[%get3A_1256, %get3A_1257] {strides = array<i32>} : memref<8x128xi32, #tpu.memory_space<vmem>>, vector<16xi32>,
      %mul3A_1259 = arith.constant 8 : i32
      %mul3A_1260 = vector.broadcast %mul3A_1259 : i32 to vector<16xi32>
      %mul3A_1261 = arith.muli %get3A_1258, %mul3A_1260 : vector<16xi32>
      %add3A_1262 = arith.constant 3 : i32
      %add3A_1263 = vector.broadcast %add3A_1262 : i32 to vector<16xi32>
      %add3A_1264 = arith.addi %mul3A_1261, %add3A_1263 : vector<16xi32>
      %add3A_1265 = arith.constant 112 : i32
      %add3A_1266 = vector.broadcast %add3A_1265 : i32 to vector<16xi32>
      %add3A_1267 = arith.addi %iota3A, %add3A_1266 : vector<16xi32>
      tpu.vector_store_idx %arg5[%add3A_1264, %add3A_1267], %broadcast_in_dim3A_5 : memref<512x128xi32, #tpu.memory_space<vmem>>[vector<16xi32>, vector<16xi32>], vector<16xi32>,
      %get3A_1268 = arith.constant 4 : i32
      %get3A_1269 = arith.index_cast %get3A_1268 : i32 to index
      %get3A_1270 = arith.constant 0 : index
      %get3A_1271 = tpu.vector_load %arg4[%get3A_1269, %get3A_1270] {strides = array<i32>} : memref<8x128xi32, #tpu.memory_space<vmem>>, vector<16xi32>,
      %mul3A_1272 = arith.constant 8 : i32
      %mul3A_1273 = vector.broadcast %mul3A_1272 : i32 to vector<16xi32>
      %mul3A_1274 = arith.muli %get3A_1271, %mul3A_1273 : vector<16xi32>
      %add3A_1275 = arith.constant 4 : i32
      %add3A_1276 = vector.broadcast %add3A_1275 : i32 to vector<16xi32>
      %add3A_1277 = arith.addi %mul3A_1274, %add3A_1276 : vector<16xi32>
      %add3A_1278 = arith.constant 0 : i32
      %add3A_1279 = vector.broadcast %add3A_1278 : i32 to vector<16xi32>
      %add3A_1280 = arith.addi %iota3A, %add3A_1279 : vector<16xi32>
      tpu.vector_store_idx %arg5[%add3A_1277, %add3A_1280], %broadcast_in_dim3A_5 : memref<512x128xi32, #tpu.memory_space<vmem>>[vector<16xi32>, vector<16xi32>], vector<16xi32>,
      %get3A_1281 = arith.constant 4 : i32
      %get3A_1282 = arith.index_cast %get3A_1281 : i32 to index
      %get3A_1283 = arith.constant 16 : index
      %get3A_1284 = tpu.vector_load %arg4[%get3A_1282, %get3A_1283] {strides = array<i32>} : memref<8x128xi32, #tpu.memory_space<vmem>>, vector<16xi32>,
      %mul3A_1285 = arith.constant 8 : i32
      %mul3A_1286 = vector.broadcast %mul3A_1285 : i32 to vector<16xi32>
      %mul3A_1287 = arith.muli %get3A_1284, %mul3A_1286 : vector<16xi32>
      %add3A_1288 = arith.constant 4 : i32
      %add3A_1289 = vector.broadcast %add3A_1288 : i32 to vector<16xi32>
      %add3A_1290 = arith.addi %mul3A_1287, %add3A_1289 : vector<16xi32>
      %add3A_1291 = arith.constant 16 : i32
      %add3A_1292 = vector.broadcast %add3A_1291 : i32 to vector<16xi32>
      %add3A_1293 = arith.addi %iota3A, %add3A_1292 : vector<16xi32>
      tpu.vector_store_idx %arg5[%add3A_1290, %add3A_1293], %broadcast_in_dim3A_5 : memref<512x128xi32, #tpu.memory_space<vmem>>[vector<16xi32>, vector<16xi32>], vector<16xi32>,
      %get3A_1294 = arith.constant 4 : i32
      %get3A_1295 = arith.index_cast %get3A_1294 : i32 to index
      %get3A_1296 = arith.constant 32 : index
      %get3A_1297 = tpu.vector_load %arg4[%get3A_1295, %get3A_1296] {strides = array<i32>} : memref<8x128xi32, #tpu.memory_space<vmem>>, vector<16xi32>,
      %mul3A_1298 = arith.constant 8 : i32
      %mul3A_1299 = vector.broadcast %mul3A_1298 : i32 to vector<16xi32>
      %mul3A_1300 = arith.muli %get3A_1297, %mul3A_1299 : vector<16xi32>
      %add3A_1301 = arith.constant 4 : i32
      %add3A_1302 = vector.broadcast %add3A_1301 : i32 to vector<16xi32>
      %add3A_1303 = arith.addi %mul3A_1300, %add3A_1302 : vector<16xi32>
      %add3A_1304 = arith.constant 32 : i32
      %add3A_1305 = vector.broadcast %add3A_1304 : i32 to vector<16xi32>
      %add3A_1306 = arith.addi %iota3A, %add3A_1305 : vector<16xi32>
      tpu.vector_store_idx %arg5[%add3A_1303, %add3A_1306], %broadcast_in_dim3A_5 : memref<512x128xi32, #tpu.memory_space<vmem>>[vector<16xi32>, vector<16xi32>], vector<16xi32>,
      %get3A_1307 = arith.constant 4 : i32
      %get3A_1308 = arith.index_cast %get3A_1307 : i32 to index
      %get3A_1309 = arith.constant 48 : index
      %get3A_1310 = tpu.vector_load %arg4[%get3A_1308, %get3A_1309] {strides = array<i32>} : memref<8x128xi32, #tpu.memory_space<vmem>>, vector<16xi32>,
      %mul3A_1311 = arith.constant 8 : i32
      %mul3A_1312 = vector.broadcast %mul3A_1311 : i32 to vector<16xi32>
      %mul3A_1313 = arith.muli %get3A_1310, %mul3A_1312 : vector<16xi32>
      %add3A_1314 = arith.constant 4 : i32
      %add3A_1315 = vector.broadcast %add3A_1314 : i32 to vector<16xi32>
      %add3A_1316 = arith.addi %mul3A_1313, %add3A_1315 : vector<16xi32>
      %add3A_1317 = arith.constant 48 : i32
      %add3A_1318 = vector.broadcast %add3A_1317 : i32 to vector<16xi32>
      %add3A_1319 = arith.addi %iota3A, %add3A_1318 : vector<16xi32>
      tpu.vector_store_idx %arg5[%add3A_1316, %add3A_1319], %broadcast_in_dim3A_5 : memref<512x128xi32, #tpu.memory_space<vmem>>[vector<16xi32>, vector<16xi32>], vector<16xi32>,
      %get3A_1320 = arith.constant 4 : i32
      %get3A_1321 = arith.index_cast %get3A_1320 : i32 to index
      %get3A_1322 = arith.constant 64 : index
      %get3A_1323 = tpu.vector_load %arg4[%get3A_1321, %get3A_1322] {strides = array<i32>} : memref<8x128xi32, #tpu.memory_space<vmem>>, vector<16xi32>,
      %mul3A_1324 = arith.constant 8 : i32
      %mul3A_1325 = vector.broadcast %mul3A_1324 : i32 to vector<16xi32>
      %mul3A_1326 = arith.muli %get3A_1323, %mul3A_1325 : vector<16xi32>
      %add3A_1327 = arith.constant 4 : i32
      %add3A_1328 = vector.broadcast %add3A_1327 : i32 to vector<16xi32>
      %add3A_1329 = arith.addi %mul3A_1326, %add3A_1328 : vector<16xi32>
      %add3A_1330 = arith.constant 64 : i32
      %add3A_1331 = vector.broadcast %add3A_1330 : i32 to vector<16xi32>
      %add3A_1332 = arith.addi %iota3A, %add3A_1331 : vector<16xi32>
      tpu.vector_store_idx %arg5[%add3A_1329, %add3A_1332], %broadcast_in_dim3A_5 : memref<512x128xi32, #tpu.memory_space<vmem>>[vector<16xi32>, vector<16xi32>], vector<16xi32>,
      %get3A_1333 = arith.constant 4 : i32
      %get3A_1334 = arith.index_cast %get3A_1333 : i32 to index
      %get3A_1335 = arith.constant 80 : index
      %get3A_1336 = tpu.vector_load %arg4[%get3A_1334, %get3A_1335] {strides = array<i32>} : memref<8x128xi32, #tpu.memory_space<vmem>>, vector<16xi32>,
      %mul3A_1337 = arith.constant 8 : i32
      %mul3A_1338 = vector.broadcast %mul3A_1337 : i32 to vector<16xi32>
      %mul3A_1339 = arith.muli %get3A_1336, %mul3A_1338 : vector<16xi32>
      %add3A_1340 = arith.constant 4 : i32
      %add3A_1341 = vector.broadcast %add3A_1340 : i32 to vector<16xi32>
      %add3A_1342 = arith.addi %mul3A_1339, %add3A_1341 : vector<16xi32>
      %add3A_1343 = arith.constant 80 : i32
      %add3A_1344 = vector.broadcast %add3A_1343 : i32 to vector<16xi32>
      %add3A_1345 = arith.addi %iota3A, %add3A_1344 : vector<16xi32>
      tpu.vector_store_idx %arg5[%add3A_1342, %add3A_1345], %broadcast_in_dim3A_5 : memref<512x128xi32, #tpu.memory_space<vmem>>[vector<16xi32>, vector<16xi32>], vector<16xi32>,
      %get3A_1346 = arith.constant 4 : i32
      %get3A_1347 = arith.index_cast %get3A_1346 : i32 to index
      %get3A_1348 = arith.constant 96 : index
      %get3A_1349 = tpu.vector_load %arg4[%get3A_1347, %get3A_1348] {strides = array<i32>} : memref<8x128xi32, #tpu.memory_space<vmem>>, vector<16xi32>,
      %mul3A_1350 = arith.constant 8 : i32
      %mul3A_1351 = vector.broadcast %mul3A_1350 : i32 to vector<16xi32>
      %mul3A_1352 = arith.muli %get3A_1349, %mul3A_1351 : vector<16xi32>
      %add3A_1353 = arith.constant 4 : i32
      %add3A_1354 = vector.broadcast %add3A_1353 : i32 to vector<16xi32>
      %add3A_1355 = arith.addi %mul3A_1352, %add3A_1354 : vector<16xi32>
      %add3A_1356 = arith.constant 96 : i32
      %add3A_1357 = vector.broadcast %add3A_1356 : i32 to vector<16xi32>
      %add3A_1358 = arith.addi %iota3A, %add3A_1357 : vector<16xi32>
      tpu.vector_store_idx %arg5[%add3A_1355, %add3A_1358], %broadcast_in_dim3A_5 : memref<512x128xi32, #tpu.memory_space<vmem>>[vector<16xi32>, vector<16xi32>], vector<16xi32>,
      %get3A_1359 = arith.constant 4 : i32
      %get3A_1360 = arith.index_cast %get3A_1359 : i32 to index
      %get3A_1361 = arith.constant 112 : index
      %get3A_1362 = tpu.vector_load %arg4[%get3A_1360, %get3A_1361] {strides = array<i32>} : memref<8x128xi32, #tpu.memory_space<vmem>>, vector<16xi32>,
      %mul3A_1363 = arith.constant 8 : i32
      %mul3A_1364 = vector.broadcast %mul3A_1363 : i32 to vector<16xi32>
      %mul3A_1365 = arith.muli %get3A_1362, %mul3A_1364 : vector<16xi32>
      %add3A_1366 = arith.constant 4 : i32
      %add3A_1367 = vector.broadcast %add3A_1366 : i32 to vector<16xi32>
      %add3A_1368 = arith.addi %mul3A_1365, %add3A_1367 : vector<16xi32>
      %add3A_1369 = arith.constant 112 : i32
      %add3A_1370 = vector.broadcast %add3A_1369 : i32 to vector<16xi32>
      %add3A_1371 = arith.addi %iota3A, %add3A_1370 : vector<16xi32>
      tpu.vector_store_idx %arg5[%add3A_1368, %add3A_1371], %broadcast_in_dim3A_5 : memref<512x128xi32, #tpu.memory_space<vmem>>[vector<16xi32>, vector<16xi32>], vector<16xi32>,
      %get3A_1372 = arith.constant 5 : i32
      %get3A_1373 = arith.index_cast %get3A_1372 : i32 to index
      %get3A_1374 = arith.constant 0 : index
      %get3A_1375 = tpu.vector_load %arg4[%get3A_1373, %get3A_1374] {strides = array<i32>} : memref<8x128xi32, #tpu.memory_space<vmem>>, vector<16xi32>,
      %mul3A_1376 = arith.constant 8 : i32
      %mul3A_1377 = vector.broadcast %mul3A_1376 : i32 to vector<16xi32>
      %mul3A_1378 = arith.muli %get3A_1375, %mul3A_1377 : vector<16xi32>
      %add3A_1379 = arith.constant 5 : i32
      %add3A_1380 = vector.broadcast %add3A_1379 : i32 to vector<16xi32>
      %add3A_1381 = arith.addi %mul3A_1378, %add3A_1380 : vector<16xi32>
      %add3A_1382 = arith.constant 0 : i32
      %add3A_1383 = vector.broadcast %add3A_1382 : i32 to vector<16xi32>
      %add3A_1384 = arith.addi %iota3A, %add3A_1383 : vector<16xi32>
      tpu.vector_store_idx %arg5[%add3A_1381, %add3A_1384], %broadcast_in_dim3A_5 : memref<512x128xi32, #tpu.memory_space<vmem>>[vector<16xi32>, vector<16xi32>], vector<16xi32>,
      %get3A_1385 = arith.constant 5 : i32
      %get3A_1386 = arith.index_cast %get3A_1385 : i32 to index
      %get3A_1387 = arith.constant 16 : index
      %get3A_1388 = tpu.vector_load %arg4[%get3A_1386, %get3A_1387] {strides = array<i32>} : memref<8x128xi32, #tpu.memory_space<vmem>>, vector<16xi32>,
      %mul3A_1389 = arith.constant 8 : i32
      %mul3A_1390 = vector.broadcast %mul3A_1389 : i32 to vector<16xi32>
      %mul3A_1391 = arith.muli %get3A_1388, %mul3A_1390 : vector<16xi32>
      %add3A_1392 = arith.constant 5 : i32
      %add3A_1393 = vector.broadcast %add3A_1392 : i32 to vector<16xi32>
      %add3A_1394 = arith.addi %mul3A_1391, %add3A_1393 : vector<16xi32>
      %add3A_1395 = arith.constant 16 : i32
      %add3A_1396 = vector.broadcast %add3A_1395 : i32 to vector<16xi32>
      %add3A_1397 = arith.addi %iota3A, %add3A_1396 : vector<16xi32>
      tpu.vector_store_idx %arg5[%add3A_1394, %add3A_1397], %broadcast_in_dim3A_5 : memref<512x128xi32, #tpu.memory_space<vmem>>[vector<16xi32>, vector<16xi32>], vector<16xi32>,
      %get3A_1398 = arith.constant 5 : i32
      %get3A_1399 = arith.index_cast %get3A_1398 : i32 to index
      %get3A_1400 = arith.constant 32 : index
      %get3A_1401 = tpu.vector_load %arg4[%get3A_1399, %get3A_1400] {strides = array<i32>} : memref<8x128xi32, #tpu.memory_space<vmem>>, vector<16xi32>,
      %mul3A_1402 = arith.constant 8 : i32
      %mul3A_1403 = vector.broadcast %mul3A_1402 : i32 to vector<16xi32>
      %mul3A_1404 = arith.muli %get3A_1401, %mul3A_1403 : vector<16xi32>
      %add3A_1405 = arith.constant 5 : i32
      %add3A_1406 = vector.broadcast %add3A_1405 : i32 to vector<16xi32>
      %add3A_1407 = arith.addi %mul3A_1404, %add3A_1406 : vector<16xi32>
      %add3A_1408 = arith.constant 32 : i32
      %add3A_1409 = vector.broadcast %add3A_1408 : i32 to vector<16xi32>
      %add3A_1410 = arith.addi %iota3A, %add3A_1409 : vector<16xi32>
      tpu.vector_store_idx %arg5[%add3A_1407, %add3A_1410], %broadcast_in_dim3A_5 : memref<512x128xi32, #tpu.memory_space<vmem>>[vector<16xi32>, vector<16xi32>], vector<16xi32>,
      %get3A_1411 = arith.constant 5 : i32
      %get3A_1412 = arith.index_cast %get3A_1411 : i32 to index
      %get3A_1413 = arith.constant 48 : index
      %get3A_1414 = tpu.vector_load %arg4[%get3A_1412, %get3A_1413] {strides = array<i32>} : memref<8x128xi32, #tpu.memory_space<vmem>>, vector<16xi32>,
      %mul3A_1415 = arith.constant 8 : i32
      %mul3A_1416 = vector.broadcast %mul3A_1415 : i32 to vector<16xi32>
      %mul3A_1417 = arith.muli %get3A_1414, %mul3A_1416 : vector<16xi32>
      %add3A_1418 = arith.constant 5 : i32
      %add3A_1419 = vector.broadcast %add3A_1418 : i32 to vector<16xi32>
      %add3A_1420 = arith.addi %mul3A_1417, %add3A_1419 : vector<16xi32>
      %add3A_1421 = arith.constant 48 : i32
      %add3A_1422 = vector.broadcast %add3A_1421 : i32 to vector<16xi32>
      %add3A_1423 = arith.addi %iota3A, %add3A_1422 : vector<16xi32>
      tpu.vector_store_idx %arg5[%add3A_1420, %add3A_1423], %broadcast_in_dim3A_5 : memref<512x128xi32, #tpu.memory_space<vmem>>[vector<16xi32>, vector<16xi32>], vector<16xi32>,
      %get3A_1424 = arith.constant 5 : i32
      %get3A_1425 = arith.index_cast %get3A_1424 : i32 to index
      %get3A_1426 = arith.constant 64 : index
      %get3A_1427 = tpu.vector_load %arg4[%get3A_1425, %get3A_1426] {strides = array<i32>} : memref<8x128xi32, #tpu.memory_space<vmem>>, vector<16xi32>,
      %mul3A_1428 = arith.constant 8 : i32
      %mul3A_1429 = vector.broadcast %mul3A_1428 : i32 to vector<16xi32>
      %mul3A_1430 = arith.muli %get3A_1427, %mul3A_1429 : vector<16xi32>
      %add3A_1431 = arith.constant 5 : i32
      %add3A_1432 = vector.broadcast %add3A_1431 : i32 to vector<16xi32>
      %add3A_1433 = arith.addi %mul3A_1430, %add3A_1432 : vector<16xi32>
      %add3A_1434 = arith.constant 64 : i32
      %add3A_1435 = vector.broadcast %add3A_1434 : i32 to vector<16xi32>
      %add3A_1436 = arith.addi %iota3A, %add3A_1435 : vector<16xi32>
      tpu.vector_store_idx %arg5[%add3A_1433, %add3A_1436], %broadcast_in_dim3A_5 : memref<512x128xi32, #tpu.memory_space<vmem>>[vector<16xi32>, vector<16xi32>], vector<16xi32>,
      %get3A_1437 = arith.constant 5 : i32
      %get3A_1438 = arith.index_cast %get3A_1437 : i32 to index
      %get3A_1439 = arith.constant 80 : index
      %get3A_1440 = tpu.vector_load %arg4[%get3A_1438, %get3A_1439] {strides = array<i32>} : memref<8x128xi32, #tpu.memory_space<vmem>>, vector<16xi32>,
      %mul3A_1441 = arith.constant 8 : i32
      %mul3A_1442 = vector.broadcast %mul3A_1441 : i32 to vector<16xi32>
      %mul3A_1443 = arith.muli %get3A_1440, %mul3A_1442 : vector<16xi32>
      %add3A_1444 = arith.constant 5 : i32
      %add3A_1445 = vector.broadcast %add3A_1444 : i32 to vector<16xi32>
      %add3A_1446 = arith.addi %mul3A_1443, %add3A_1445 : vector<16xi32>
      %add3A_1447 = arith.constant 80 : i32
      %add3A_1448 = vector.broadcast %add3A_1447 : i32 to vector<16xi32>
      %add3A_1449 = arith.addi %iota3A, %add3A_1448 : vector<16xi32>
      tpu.vector_store_idx %arg5[%add3A_1446, %add3A_1449], %broadcast_in_dim3A_5 : memref<512x128xi32, #tpu.memory_space<vmem>>[vector<16xi32>, vector<16xi32>], vector<16xi32>,
      %get3A_1450 = arith.constant 5 : i32
      %get3A_1451 = arith.index_cast %get3A_1450 : i32 to index
      %get3A_1452 = arith.constant 96 : index
      %get3A_1453 = tpu.vector_load %arg4[%get3A_1451, %get3A_1452] {strides = array<i32>} : memref<8x128xi32, #tpu.memory_space<vmem>>, vector<16xi32>,
      %mul3A_1454 = arith.constant 8 : i32
      %mul3A_1455 = vector.broadcast %mul3A_1454 : i32 to vector<16xi32>
      %mul3A_1456 = arith.muli %get3A_1453, %mul3A_1455 : vector<16xi32>
      %add3A_1457 = arith.constant 5 : i32
      %add3A_1458 = vector.broadcast %add3A_1457 : i32 to vector<16xi32>
      %add3A_1459 = arith.addi %mul3A_1456, %add3A_1458 : vector<16xi32>
      %add3A_1460 = arith.constant 96 : i32
      %add3A_1461 = vector.broadcast %add3A_1460 : i32 to vector<16xi32>
      %add3A_1462 = arith.addi %iota3A, %add3A_1461 : vector<16xi32>
      tpu.vector_store_idx %arg5[%add3A_1459, %add3A_1462], %broadcast_in_dim3A_5 : memref<512x128xi32, #tpu.memory_space<vmem>>[vector<16xi32>, vector<16xi32>], vector<16xi32>,
      %get3A_1463 = arith.constant 5 : i32
      %get3A_1464 = arith.index_cast %get3A_1463 : i32 to index
      %get3A_1465 = arith.constant 112 : index
      %get3A_1466 = tpu.vector_load %arg4[%get3A_1464, %get3A_1465] {strides = array<i32>} : memref<8x128xi32, #tpu.memory_space<vmem>>, vector<16xi32>,
      %mul3A_1467 = arith.constant 8 : i32
      %mul3A_1468 = vector.broadcast %mul3A_1467 : i32 to vector<16xi32>
      %mul3A_1469 = arith.muli %get3A_1466, %mul3A_1468 : vector<16xi32>
      %add3A_1470 = arith.constant 5 : i32
      %add3A_1471 = vector.broadcast %add3A_1470 : i32 to vector<16xi32>
      %add3A_1472 = arith.addi %mul3A_1469, %add3A_1471 : vector<16xi32>
      %add3A_1473 = arith.constant 112 : i32
      %add3A_1474 = vector.broadcast %add3A_1473 : i32 to vector<16xi32>
      %add3A_1475 = arith.addi %iota3A, %add3A_1474 : vector<16xi32>
      tpu.vector_store_idx %arg5[%add3A_1472, %add3A_1475], %broadcast_in_dim3A_5 : memref<512x128xi32, #tpu.memory_space<vmem>>[vector<16xi32>, vector<16xi32>], vector<16xi32>,
      %get3A_1476 = arith.constant 6 : i32
      %get3A_1477 = arith.index_cast %get3A_1476 : i32 to index
      %get3A_1478 = arith.constant 0 : index
      %get3A_1479 = tpu.vector_load %arg4[%get3A_1477, %get3A_1478] {strides = array<i32>} : memref<8x128xi32, #tpu.memory_space<vmem>>, vector<16xi32>,
      %mul3A_1480 = arith.constant 8 : i32
      %mul3A_1481 = vector.broadcast %mul3A_1480 : i32 to vector<16xi32>
      %mul3A_1482 = arith.muli %get3A_1479, %mul3A_1481 : vector<16xi32>
      %add3A_1483 = arith.constant 6 : i32
      %add3A_1484 = vector.broadcast %add3A_1483 : i32 to vector<16xi32>
      %add3A_1485 = arith.addi %mul3A_1482, %add3A_1484 : vector<16xi32>
      %add3A_1486 = arith.constant 0 : i32
      %add3A_1487 = vector.broadcast %add3A_1486 : i32 to vector<16xi32>
      %add3A_1488 = arith.addi %iota3A, %add3A_1487 : vector<16xi32>
      tpu.vector_store_idx %arg5[%add3A_1485, %add3A_1488], %broadcast_in_dim3A_5 : memref<512x128xi32, #tpu.memory_space<vmem>>[vector<16xi32>, vector<16xi32>], vector<16xi32>,
      %get3A_1489 = arith.constant 6 : i32
      %get3A_1490 = arith.index_cast %get3A_1489 : i32 to index
      %get3A_1491 = arith.constant 16 : index
      %get3A_1492 = tpu.vector_load %arg4[%get3A_1490, %get3A_1491] {strides = array<i32>} : memref<8x128xi32, #tpu.memory_space<vmem>>, vector<16xi32>,
      %mul3A_1493 = arith.constant 8 : i32
      %mul3A_1494 = vector.broadcast %mul3A_1493 : i32 to vector<16xi32>
      %mul3A_1495 = arith.muli %get3A_1492, %mul3A_1494 : vector<16xi32>
      %add3A_1496 = arith.constant 6 : i32
      %add3A_1497 = vector.broadcast %add3A_1496 : i32 to vector<16xi32>
      %add3A_1498 = arith.addi %mul3A_1495, %add3A_1497 : vector<16xi32>
      %add3A_1499 = arith.constant 16 : i32
      %add3A_1500 = vector.broadcast %add3A_1499 : i32 to vector<16xi32>
      %add3A_1501 = arith.addi %iota3A, %add3A_1500 : vector<16xi32>
      tpu.vector_store_idx %arg5[%add3A_1498, %add3A_1501], %broadcast_in_dim3A_5 : memref<512x128xi32, #tpu.memory_space<vmem>>[vector<16xi32>, vector<16xi32>], vector<16xi32>,
      %get3A_1502 = arith.constant 6 : i32
      %get3A_1503 = arith.index_cast %get3A_1502 : i32 to index
      %get3A_1504 = arith.constant 32 : index
      %get3A_1505 = tpu.vector_load %arg4[%get3A_1503, %get3A_1504] {strides = array<i32>} : memref<8x128xi32, #tpu.memory_space<vmem>>, vector<16xi32>,
      %mul3A_1506 = arith.constant 8 : i32
      %mul3A_1507 = vector.broadcast %mul3A_1506 : i32 to vector<16xi32>
      %mul3A_1508 = arith.muli %get3A_1505, %mul3A_1507 : vector<16xi32>
      %add3A_1509 = arith.constant 6 : i32
      %add3A_1510 = vector.broadcast %add3A_1509 : i32 to vector<16xi32>
      %add3A_1511 = arith.addi %mul3A_1508, %add3A_1510 : vector<16xi32>
      %add3A_1512 = arith.constant 32 : i32
      %add3A_1513 = vector.broadcast %add3A_1512 : i32 to vector<16xi32>
      %add3A_1514 = arith.addi %iota3A, %add3A_1513 : vector<16xi32>
      tpu.vector_store_idx %arg5[%add3A_1511, %add3A_1514], %broadcast_in_dim3A_5 : memref<512x128xi32, #tpu.memory_space<vmem>>[vector<16xi32>, vector<16xi32>], vector<16xi32>,
      %get3A_1515 = arith.constant 6 : i32
      %get3A_1516 = arith.index_cast %get3A_1515 : i32 to index
      %get3A_1517 = arith.constant 48 : index
      %get3A_1518 = tpu.vector_load %arg4[%get3A_1516, %get3A_1517] {strides = array<i32>} : memref<8x128xi32, #tpu.memory_space<vmem>>, vector<16xi32>,
      %mul3A_1519 = arith.constant 8 : i32
      %mul3A_1520 = vector.broadcast %mul3A_1519 : i32 to vector<16xi32>
      %mul3A_1521 = arith.muli %get3A_1518, %mul3A_1520 : vector<16xi32>
      %add3A_1522 = arith.constant 6 : i32
      %add3A_1523 = vector.broadcast %add3A_1522 : i32 to vector<16xi32>
      %add3A_1524 = arith.addi %mul3A_1521, %add3A_1523 : vector<16xi32>
      %add3A_1525 = arith.constant 48 : i32
      %add3A_1526 = vector.broadcast %add3A_1525 : i32 to vector<16xi32>
      %add3A_1527 = arith.addi %iota3A, %add3A_1526 : vector<16xi32>
      tpu.vector_store_idx %arg5[%add3A_1524, %add3A_1527], %broadcast_in_dim3A_5 : memref<512x128xi32, #tpu.memory_space<vmem>>[vector<16xi32>, vector<16xi32>], vector<16xi32>,
      %get3A_1528 = arith.constant 6 : i32
      %get3A_1529 = arith.index_cast %get3A_1528 : i32 to index
      %get3A_1530 = arith.constant 64 : index
      %get3A_1531 = tpu.vector_load %arg4[%get3A_1529, %get3A_1530] {strides = array<i32>} : memref<8x128xi32, #tpu.memory_space<vmem>>, vector<16xi32>,
      %mul3A_1532 = arith.constant 8 : i32
      %mul3A_1533 = vector.broadcast %mul3A_1532 : i32 to vector<16xi32>
      %mul3A_1534 = arith.muli %get3A_1531, %mul3A_1533 : vector<16xi32>
      %add3A_1535 = arith.constant 6 : i32
      %add3A_1536 = vector.broadcast %add3A_1535 : i32 to vector<16xi32>
      %add3A_1537 = arith.addi %mul3A_1534, %add3A_1536 : vector<16xi32>
      %add3A_1538 = arith.constant 64 : i32
      %add3A_1539 = vector.broadcast %add3A_1538 : i32 to vector<16xi32>
      %add3A_1540 = arith.addi %iota3A, %add3A_1539 : vector<16xi32>
      tpu.vector_store_idx %arg5[%add3A_1537, %add3A_1540], %broadcast_in_dim3A_5 : memref<512x128xi32, #tpu.memory_space<vmem>>[vector<16xi32>, vector<16xi32>], vector<16xi32>,
      %get3A_1541 = arith.constant 6 : i32
      %get3A_1542 = arith.index_cast %get3A_1541 : i32 to index
      %get3A_1543 = arith.constant 80 : index
      %get3A_1544 = tpu.vector_load %arg4[%get3A_1542, %get3A_1543] {strides = array<i32>} : memref<8x128xi32, #tpu.memory_space<vmem>>, vector<16xi32>,
      %mul3A_1545 = arith.constant 8 : i32
      %mul3A_1546 = vector.broadcast %mul3A_1545 : i32 to vector<16xi32>
      %mul3A_1547 = arith.muli %get3A_1544, %mul3A_1546 : vector<16xi32>
      %add3A_1548 = arith.constant 6 : i32
      %add3A_1549 = vector.broadcast %add3A_1548 : i32 to vector<16xi32>
      %add3A_1550 = arith.addi %mul3A_1547, %add3A_1549 : vector<16xi32>
      %add3A_1551 = arith.constant 80 : i32
      %add3A_1552 = vector.broadcast %add3A_1551 : i32 to vector<16xi32>
      %add3A_1553 = arith.addi %iota3A, %add3A_1552 : vector<16xi32>
      tpu.vector_store_idx %arg5[%add3A_1550, %add3A_1553], %broadcast_in_dim3A_5 : memref<512x128xi32, #tpu.memory_space<vmem>>[vector<16xi32>, vector<16xi32>], vector<16xi32>,
      %get3A_1554 = arith.constant 6 : i32
      %get3A_1555 = arith.index_cast %get3A_1554 : i32 to index
      %get3A_1556 = arith.constant 96 : index
      %get3A_1557 = tpu.vector_load %arg4[%get3A_1555, %get3A_1556] {strides = array<i32>} : memref<8x128xi32, #tpu.memory_space<vmem>>, vector<16xi32>,
      %mul3A_1558 = arith.constant 8 : i32
      %mul3A_1559 = vector.broadcast %mul3A_1558 : i32 to vector<16xi32>
      %mul3A_1560 = arith.muli %get3A_1557, %mul3A_1559 : vector<16xi32>
      %add3A_1561 = arith.constant 6 : i32
      %add3A_1562 = vector.broadcast %add3A_1561 : i32 to vector<16xi32>
      %add3A_1563 = arith.addi %mul3A_1560, %add3A_1562 : vector<16xi32>
      %add3A_1564 = arith.constant 96 : i32
      %add3A_1565 = vector.broadcast %add3A_1564 : i32 to vector<16xi32>
      %add3A_1566 = arith.addi %iota3A, %add3A_1565 : vector<16xi32>
      tpu.vector_store_idx %arg5[%add3A_1563, %add3A_1566], %broadcast_in_dim3A_5 : memref<512x128xi32, #tpu.memory_space<vmem>>[vector<16xi32>, vector<16xi32>], vector<16xi32>,
      %get3A_1567 = arith.constant 6 : i32
      %get3A_1568 = arith.index_cast %get3A_1567 : i32 to index
      %get3A_1569 = arith.constant 112 : index
      %get3A_1570 = tpu.vector_load %arg4[%get3A_1568, %get3A_1569] {strides = array<i32>} : memref<8x128xi32, #tpu.memory_space<vmem>>, vector<16xi32>,
      %mul3A_1571 = arith.constant 8 : i32
      %mul3A_1572 = vector.broadcast %mul3A_1571 : i32 to vector<16xi32>
      %mul3A_1573 = arith.muli %get3A_1570, %mul3A_1572 : vector<16xi32>
      %add3A_1574 = arith.constant 6 : i32
      %add3A_1575 = vector.broadcast %add3A_1574 : i32 to vector<16xi32>
      %add3A_1576 = arith.addi %mul3A_1573, %add3A_1575 : vector<16xi32>
      %add3A_1577 = arith.constant 112 : i32
      %add3A_1578 = vector.broadcast %add3A_1577 : i32 to vector<16xi32>
      %add3A_1579 = arith.addi %iota3A, %add3A_1578 : vector<16xi32>
      tpu.vector_store_idx %arg5[%add3A_1576, %add3A_1579], %broadcast_in_dim3A_5 : memref<512x128xi32, #tpu.memory_space<vmem>>[vector<16xi32>, vector<16xi32>], vector<16xi32>,
      %get3A_1580 = arith.constant 7 : i32
      %get3A_1581 = arith.index_cast %get3A_1580 : i32 to index
      %get3A_1582 = arith.constant 0 : index
      %get3A_1583 = tpu.vector_load %arg4[%get3A_1581, %get3A_1582] {strides = array<i32>} : memref<8x128xi32, #tpu.memory_space<vmem>>, vector<16xi32>,
      %mul3A_1584 = arith.constant 8 : i32
      %mul3A_1585 = vector.broadcast %mul3A_1584 : i32 to vector<16xi32>
      %mul3A_1586 = arith.muli %get3A_1583, %mul3A_1585 : vector<16xi32>
      %add3A_1587 = arith.constant 7 : i32
      %add3A_1588 = vector.broadcast %add3A_1587 : i32 to vector<16xi32>
      %add3A_1589 = arith.addi %mul3A_1586, %add3A_1588 : vector<16xi32>
      %add3A_1590 = arith.constant 0 : i32
      %add3A_1591 = vector.broadcast %add3A_1590 : i32 to vector<16xi32>
      %add3A_1592 = arith.addi %iota3A, %add3A_1591 : vector<16xi32>
      tpu.vector_store_idx %arg5[%add3A_1589, %add3A_1592], %broadcast_in_dim3A_5 : memref<512x128xi32, #tpu.memory_space<vmem>>[vector<16xi32>, vector<16xi32>], vector<16xi32>,
      %get3A_1593 = arith.constant 7 : i32
      %get3A_1594 = arith.index_cast %get3A_1593 : i32 to index
      %get3A_1595 = arith.constant 16 : index
      %get3A_1596 = tpu.vector_load %arg4[%get3A_1594, %get3A_1595] {strides = array<i32>} : memref<8x128xi32, #tpu.memory_space<vmem>>, vector<16xi32>,
      %mul3A_1597 = arith.constant 8 : i32
      %mul3A_1598 = vector.broadcast %mul3A_1597 : i32 to vector<16xi32>
      %mul3A_1599 = arith.muli %get3A_1596, %mul3A_1598 : vector<16xi32>
      %add3A_1600 = arith.constant 7 : i32
      %add3A_1601 = vector.broadcast %add3A_1600 : i32 to vector<16xi32>
      %add3A_1602 = arith.addi %mul3A_1599, %add3A_1601 : vector<16xi32>
      %add3A_1603 = arith.constant 16 : i32
      %add3A_1604 = vector.broadcast %add3A_1603 : i32 to vector<16xi32>
      %add3A_1605 = arith.addi %iota3A, %add3A_1604 : vector<16xi32>
      tpu.vector_store_idx %arg5[%add3A_1602, %add3A_1605], %broadcast_in_dim3A_5 : memref<512x128xi32, #tpu.memory_space<vmem>>[vector<16xi32>, vector<16xi32>], vector<16xi32>,
      %get3A_1606 = arith.constant 7 : i32
      %get3A_1607 = arith.index_cast %get3A_1606 : i32 to index
      %get3A_1608 = arith.constant 32 : index
      %get3A_1609 = tpu.vector_load %arg4[%get3A_1607, %get3A_1608] {strides = array<i32>} : memref<8x128xi32, #tpu.memory_space<vmem>>, vector<16xi32>,
      %mul3A_1610 = arith.constant 8 : i32
      %mul3A_1611 = vector.broadcast %mul3A_1610 : i32 to vector<16xi32>
      %mul3A_1612 = arith.muli %get3A_1609, %mul3A_1611 : vector<16xi32>
      %add3A_1613 = arith.constant 7 : i32
      %add3A_1614 = vector.broadcast %add3A_1613 : i32 to vector<16xi32>
      %add3A_1615 = arith.addi %mul3A_1612, %add3A_1614 : vector<16xi32>
      %add3A_1616 = arith.constant 32 : i32
      %add3A_1617 = vector.broadcast %add3A_1616 : i32 to vector<16xi32>
      %add3A_1618 = arith.addi %iota3A, %add3A_1617 : vector<16xi32>
      tpu.vector_store_idx %arg5[%add3A_1615, %add3A_1618], %broadcast_in_dim3A_5 : memref<512x128xi32, #tpu.memory_space<vmem>>[vector<16xi32>, vector<16xi32>], vector<16xi32>,
      %get3A_1619 = arith.constant 7 : i32
      %get3A_1620 = arith.index_cast %get3A_1619 : i32 to index
      %get3A_1621 = arith.constant 48 : index
      %get3A_1622 = tpu.vector_load %arg4[%get3A_1620, %get3A_1621] {strides = array<i32>} : memref<8x128xi32, #tpu.memory_space<vmem>>, vector<16xi32>,
      %mul3A_1623 = arith.constant 8 : i32
      %mul3A_1624 = vector.broadcast %mul3A_1623 : i32 to vector<16xi32>
      %mul3A_1625 = arith.muli %get3A_1622, %mul3A_1624 : vector<16xi32>
      %add3A_1626 = arith.constant 7 : i32
      %add3A_1627 = vector.broadcast %add3A_1626 : i32 to vector<16xi32>
      %add3A_1628 = arith.addi %mul3A_1625, %add3A_1627 : vector<16xi32>
      %add3A_1629 = arith.constant 48 : i32
      %add3A_1630 = vector.broadcast %add3A_1629 : i32 to vector<16xi32>
      %add3A_1631 = arith.addi %iota3A, %add3A_1630 : vector<16xi32>
      tpu.vector_store_idx %arg5[%add3A_1628, %add3A_1631], %broadcast_in_dim3A_5 : memref<512x128xi32, #tpu.memory_space<vmem>>[vector<16xi32>, vector<16xi32>], vector<16xi32>,
      %get3A_1632 = arith.constant 7 : i32
      %get3A_1633 = arith.index_cast %get3A_1632 : i32 to index
      %get3A_1634 = arith.constant 64 : index
      %get3A_1635 = tpu.vector_load %arg4[%get3A_1633, %get3A_1634] {strides = array<i32>} : memref<8x128xi32, #tpu.memory_space<vmem>>, vector<16xi32>,
      %mul3A_1636 = arith.constant 8 : i32
      %mul3A_1637 = vector.broadcast %mul3A_1636 : i32 to vector<16xi32>
      %mul3A_1638 = arith.muli %get3A_1635, %mul3A_1637 : vector<16xi32>
      %add3A_1639 = arith.constant 7 : i32
      %add3A_1640 = vector.broadcast %add3A_1639 : i32 to vector<16xi32>
      %add3A_1641 = arith.addi %mul3A_1638, %add3A_1640 : vector<16xi32>
      %add3A_1642 = arith.constant 64 : i32
      %add3A_1643 = vector.broadcast %add3A_1642 : i32 to vector<16xi32>
      %add3A_1644 = arith.addi %iota3A, %add3A_1643 : vector<16xi32>
      tpu.vector_store_idx %arg5[%add3A_1641, %add3A_1644], %broadcast_in_dim3A_5 : memref<512x128xi32, #tpu.memory_space<vmem>>[vector<16xi32>, vector<16xi32>], vector<16xi32>,
      %get3A_1645 = arith.constant 7 : i32
      %get3A_1646 = arith.index_cast %get3A_1645 : i32 to index
      %get3A_1647 = arith.constant 80 : index
      %get3A_1648 = tpu.vector_load %arg4[%get3A_1646, %get3A_1647] {strides = array<i32>} : memref<8x128xi32, #tpu.memory_space<vmem>>, vector<16xi32>,
      %mul3A_1649 = arith.constant 8 : i32
      %mul3A_1650 = vector.broadcast %mul3A_1649 : i32 to vector<16xi32>
      %mul3A_1651 = arith.muli %get3A_1648, %mul3A_1650 : vector<16xi32>
      %add3A_1652 = arith.constant 7 : i32
      %add3A_1653 = vector.broadcast %add3A_1652 : i32 to vector<16xi32>
      %add3A_1654 = arith.addi %mul3A_1651, %add3A_1653 : vector<16xi32>
      %add3A_1655 = arith.constant 80 : i32
      %add3A_1656 = vector.broadcast %add3A_1655 : i32 to vector<16xi32>
      %add3A_1657 = arith.addi %iota3A, %add3A_1656 : vector<16xi32>
      tpu.vector_store_idx %arg5[%add3A_1654, %add3A_1657], %broadcast_in_dim3A_5 : memref<512x128xi32, #tpu.memory_space<vmem>>[vector<16xi32>, vector<16xi32>], vector<16xi32>,
      %get3A_1658 = arith.constant 7 : i32
      %get3A_1659 = arith.index_cast %get3A_1658 : i32 to index
      %get3A_1660 = arith.constant 96 : index
      %get3A_1661 = tpu.vector_load %arg4[%get3A_1659, %get3A_1660] {strides = array<i32>} : memref<8x128xi32, #tpu.memory_space<vmem>>, vector<16xi32>,
      %mul3A_1662 = arith.constant 8 : i32
      %mul3A_1663 = vector.broadcast %mul3A_1662 : i32 to vector<16xi32>
      %mul3A_1664 = arith.muli %get3A_1661, %mul3A_1663 : vector<16xi32>
      %add3A_1665 = arith.constant 7 : i32
      %add3A_1666 = vector.broadcast %add3A_1665 : i32 to vector<16xi32>
      %add3A_1667 = arith.addi %mul3A_1664, %add3A_1666 : vector<16xi32>
      %add3A_1668 = arith.constant 96 : i32
      %add3A_1669 = vector.broadcast %add3A_1668 : i32 to vector<16xi32>
      %add3A_1670 = arith.addi %iota3A, %add3A_1669 : vector<16xi32>
      tpu.vector_store_idx %arg5[%add3A_1667, %add3A_1670], %broadcast_in_dim3A_5 : memref<512x128xi32, #tpu.memory_space<vmem>>[vector<16xi32>, vector<16xi32>], vector<16xi32>,
      %get3A_1671 = arith.constant 7 : i32
      %get3A_1672 = arith.index_cast %get3A_1671 : i32 to index
      %get3A_1673 = arith.constant 112 : index
      %get3A_1674 = tpu.vector_load %arg4[%get3A_1672, %get3A_1673] {strides = array<i32>} : memref<8x128xi32, #tpu.memory_space<vmem>>, vector<16xi32>,
      %mul3A_1675 = arith.constant 8 : i32
      %mul3A_1676 = vector.broadcast %mul3A_1675 : i32 to vector<16xi32>
      %mul3A_1677 = arith.muli %get3A_1674, %mul3A_1676 : vector<16xi32>
      %add3A_1678 = arith.constant 7 : i32
      %add3A_1679 = vector.broadcast %add3A_1678 : i32 to vector<16xi32>
      %add3A_1680 = arith.addi %mul3A_1677, %add3A_1679 : vector<16xi32>
      %add3A_1681 = arith.constant 112 : i32
      %add3A_1682 = vector.broadcast %add3A_1681 : i32 to vector<16xi32>
      %add3A_1683 = arith.addi %iota3A, %add3A_1682 : vector<16xi32>
      tpu.vector_store_idx %arg5[%add3A_1680, %add3A_1683], %broadcast_in_dim3A_5 : memref<512x128xi32, #tpu.memory_space<vmem>>[vector<16xi32>, vector<16xi32>], vector<16xi32>,
    }
    %scan3A_16 = arith.constant 16 : i32
    return
  }
}

module attributes {stable_mosaic.version = 14 : i64} {
  func.func @_router_body(%arg0: i32, %arg1: i32, %arg2: memref<1x64x2048xf32, #tpu.memory_space<vmem>>, %arg3: memref<64x64xf32, #tpu.memory_space<vmem>>, %arg4: memref<64x1xf32, #tpu.memory_space<vmem>>, %arg5: memref<1x64x2048xf32, #tpu.memory_space<vmem>>, %arg6: memref<1x8x2048xf32, #tpu.memory_space<vmem>>, %arg7: memref<1x8x2048xi32, #tpu.memory_space<vmem>>, %arg8: memref<8x2048xi32, #tpu.memory_space<vmem>>) attributes {dimension_semantics = [#tpu.dimension_semantics<arbitrary>, #tpu.dimension_semantics<arbitrary>], iteration_bounds = array<i64: 4, 8>, scalar_prefetch = 0 : i64, scratch_operands = 0 : i64, tpu.core_type = #tpu.core_type<tc>, window_params = [{transform_indices = @transform_0, window_bounds = array<i64: 1, 64, 2048>}, {pipeline_mode = #tpu.pipeline_mode<synchronous>, transform_indices = @transform_1, window_bounds = array<i64: 64, 64>}, {pipeline_mode = #tpu.pipeline_mode<synchronous>, transform_indices = @transform_2, window_bounds = array<i64: 64, 1>}, {transform_indices = @transform_3, window_bounds = array<i64: 1, 64, 2048>}, {transform_indices = @transform_4, window_bounds = array<i64: 1, 8, 2048>}, {transform_indices = @transform_5, window_bounds = array<i64: 1, 8, 2048>}, {transform_indices = @transform_6, window_bounds = array<i64: 8, 2048>}]} {
    %get3A = arith.constant 0 : index
    %get3A_0 = arith.constant 0 : index
    %get3A_1 = arith.constant 0 : index
    %get3A_2 = vector.load %arg2[%get3A, %get3A_0, %get3A_1] : memref<1x64x2048xf32, #tpu.memory_space<vmem>>, vector<1x64x2048xf32>
    %get3A_3 = vector.shape_cast %get3A_2 : vector<1x64x2048xf32> to vector<64x2048xf32>
    %get3A_4 = arith.constant 0 : index
    %get3A_5 = arith.constant 0 : index
    %get3A_6 = vector.load %arg3[%get3A_4, %get3A_5] : memref<64x64xf32, #tpu.memory_space<vmem>>, vector<64x64xf32>
    %dot_general3A = arith.constant dense<0.000000e+00> : vector<64x2048xf32>
    %dot_general3A_7 = tpu.matmul %get3A_6, %get3A_3, %dot_general3A {dimension_numbers = #tpu.dot_dimension_numbers<[1], [0], [0], [1], [0, 0, 1, 1], [], []>, transpose_lhs_hint = false} : vector<64x64xf32>, vector<64x2048xf32>, vector<64x2048xf32> -> vector<64x2048xf32>
    %get3A_8 = arith.constant 0 : index
    %get3A_9 = arith.constant 0 : index
    %get3A_10 = vector.load %arg4[%get3A_8, %get3A_9] : memref<64x1xf32, #tpu.memory_space<vmem>>, vector<64x1xf32>
    %add3A = vector.broadcast %get3A_10 : vector<64x1xf32> to vector<64x2048xf32>
    %add3A_11 = arith.addf %dot_general3A_7, %add3A : vector<64x2048xf32>
    %swap3A = arith.constant 0 : index
    %swap3A_12 = arith.constant 0 : index
    %swap3A_13 = arith.constant 0 : index
    %swap3A_14 = vector.load %arg5[%swap3A, %swap3A_12, %swap3A_13] : memref<1x64x2048xf32, #tpu.memory_space<vmem>>, vector<1x64x2048xf32>
    %swap3A_15 = vector.shape_cast %swap3A_14 : vector<1x64x2048xf32> to vector<64x2048xf32>
    %swap3A_16 = vector.shape_cast %add3A_11 : vector<64x2048xf32> to vector<1x64x2048xf32>
    tpu.vector_store %arg5[%swap3A, %swap3A_12, %swap3A_13], %swap3A_16 {strides = array<i32>} : memref<1x64x2048xf32, #tpu.memory_space<vmem>>, vector<1x64x2048xf32>,
    %reduce_max3A = arith.constant dense<0xFF800000> : vector<2048xf32>
    %reduce_max3A_17 = vector.multi_reduction <maximumf>, %add3A_11, %reduce_max3A [0] : vector<64x2048xf32> to vector<2048xf32>
    %broadcast_in_dim3A = vector.shape_cast %reduce_max3A_17 : vector<2048xf32> to vector<1x2048xf32>
    %sub3A = vector.broadcast %broadcast_in_dim3A : vector<1x2048xf32> to vector<64x2048xf32>
    %sub3A_18 = arith.subf %add3A_11, %sub3A : vector<64x2048xf32>
    %exp3A = math.exp %sub3A_18 : vector<64x2048xf32>
    %reduce_sum3A = arith.constant dense<0.000000e+00> : vector<2048xf32>
    %reduce_sum3A_19 = vector.multi_reduction <add>, %exp3A, %reduce_sum3A [0] : vector<64x2048xf32> to vector<2048xf32>
    %broadcast_in_dim3A_20 = vector.shape_cast %reduce_sum3A_19 : vector<2048xf32> to vector<1x2048xf32>
    %div3A = vector.broadcast %broadcast_in_dim3A_20 : vector<1x2048xf32> to vector<64x2048xf32>
    %div3A_21 = arith.divf %exp3A, %div3A : vector<64x2048xf32>
    %iota3A = tpu.iota {dimensions = array<i32: 0>} : vector<64x2048xi32>
    %reduce_max3A_22 = arith.constant dense<0xFF800000> : vector<2048xf32>
    %reduce_max3A_23 = vector.multi_reduction <maximumf>, %div3A_21, %reduce_max3A_22 [0] : vector<64x2048xf32> to vector<2048xf32>
    %broadcast_in_dim3A_24 = vector.shape_cast %reduce_max3A_23 : vector<2048xf32> to vector<1x2048xf32>
    %eq3A = vector.broadcast %broadcast_in_dim3A_24 : vector<1x2048xf32> to vector<64x2048xf32>
    %eq3A_25 = arith.cmpf oeq, %div3A_21, %eq3A : vector<64x2048xf32>
    %jit3A = arith.constant 64 : i32
    %broadcast_in_dim3A_26 = vector.broadcast %jit3A : i32 to vector<64x2048xi32>
    %select_n3A = arith.select %eq3A_25, %iota3A, %broadcast_in_dim3A_26 : vector<64x2048xi1>, vector<64x2048xi32>
    %reduce_min3A = arith.constant dense<2147483647> : vector<2048xi32>
    %reduce_min3A_27 = vector.multi_reduction <minsi>, %select_n3A, %reduce_min3A [0] : vector<64x2048xi32> to vector<2048xi32>
    %broadcast_in_dim3A_28 = vector.shape_cast %reduce_min3A_27 : vector<2048xi32> to vector<1x2048xi32>
    %eq3A_29 = vector.broadcast %broadcast_in_dim3A_28 : vector<1x2048xi32> to vector<64x2048xi32>
    %eq3A_30 = arith.cmpi eq, %iota3A, %eq3A_29 : vector<64x2048xi32>
    %jit3A_31 = arith.constant -1.000000e+00 : f32
    %broadcast_in_dim3A_32 = vector.broadcast %jit3A_31 : f32 to vector<64x2048xf32>
    %select_n3A_33 = arith.select %eq3A_30, %broadcast_in_dim3A_32, %div3A_21 : vector<64x2048xi1>, vector<64x2048xf32>
    %reduce_max3A_34 = arith.constant dense<0xFF800000> : vector<2048xf32>
    %reduce_max3A_35 = vector.multi_reduction <maximumf>, %select_n3A_33, %reduce_max3A_34 [0] : vector<64x2048xf32> to vector<2048xf32>
    %broadcast_in_dim3A_36 = vector.shape_cast %reduce_max3A_35 : vector<2048xf32> to vector<1x2048xf32>
    %eq3A_37 = vector.broadcast %broadcast_in_dim3A_36 : vector<1x2048xf32> to vector<64x2048xf32>
    %eq3A_38 = arith.cmpf oeq, %select_n3A_33, %eq3A_37 : vector<64x2048xf32>
    %jit3A_39 = arith.constant 64 : i32
    %broadcast_in_dim3A_40 = vector.broadcast %jit3A_39 : i32 to vector<64x2048xi32>
    %select_n3A_41 = arith.select %eq3A_38, %iota3A, %broadcast_in_dim3A_40 : vector<64x2048xi1>, vector<64x2048xi32>
    %reduce_min3A_42 = arith.constant dense<2147483647> : vector<2048xi32>
    %reduce_min3A_43 = vector.multi_reduction <minsi>, %select_n3A_41, %reduce_min3A_42 [0] : vector<64x2048xi32> to vector<2048xi32>
    %broadcast_in_dim3A_44 = vector.shape_cast %reduce_min3A_43 : vector<2048xi32> to vector<1x2048xi32>
    %eq3A_45 = vector.broadcast %broadcast_in_dim3A_44 : vector<1x2048xi32> to vector<64x2048xi32>
    %eq3A_46 = arith.cmpi eq, %iota3A, %eq3A_45 : vector<64x2048xi32>
    %jit3A_47 = arith.constant -1.000000e+00 : f32
    %broadcast_in_dim3A_48 = vector.broadcast %jit3A_47 : f32 to vector<64x2048xf32>
    %select_n3A_49 = arith.select %eq3A_46, %broadcast_in_dim3A_48, %select_n3A_33 : vector<64x2048xi1>, vector<64x2048xf32>
    %reduce_max3A_50 = arith.constant dense<0xFF800000> : vector<2048xf32>
    %reduce_max3A_51 = vector.multi_reduction <maximumf>, %select_n3A_49, %reduce_max3A_50 [0] : vector<64x2048xf32> to vector<2048xf32>
    %broadcast_in_dim3A_52 = vector.shape_cast %reduce_max3A_51 : vector<2048xf32> to vector<1x2048xf32>
    %eq3A_53 = vector.broadcast %broadcast_in_dim3A_52 : vector<1x2048xf32> to vector<64x2048xf32>
    %eq3A_54 = arith.cmpf oeq, %select_n3A_49, %eq3A_53 : vector<64x2048xf32>
    %jit3A_55 = arith.constant 64 : i32
    %broadcast_in_dim3A_56 = vector.broadcast %jit3A_55 : i32 to vector<64x2048xi32>
    %select_n3A_57 = arith.select %eq3A_54, %iota3A, %broadcast_in_dim3A_56 : vector<64x2048xi1>, vector<64x2048xi32>
    %reduce_min3A_58 = arith.constant dense<2147483647> : vector<2048xi32>
    %reduce_min3A_59 = vector.multi_reduction <minsi>, %select_n3A_57, %reduce_min3A_58 [0] : vector<64x2048xi32> to vector<2048xi32>
    %broadcast_in_dim3A_60 = vector.shape_cast %reduce_min3A_59 : vector<2048xi32> to vector<1x2048xi32>
    %eq3A_61 = vector.broadcast %broadcast_in_dim3A_60 : vector<1x2048xi32> to vector<64x2048xi32>
    %eq3A_62 = arith.cmpi eq, %iota3A, %eq3A_61 : vector<64x2048xi32>
    %jit3A_63 = arith.constant -1.000000e+00 : f32
    %broadcast_in_dim3A_64 = vector.broadcast %jit3A_63 : f32 to vector<64x2048xf32>
    %select_n3A_65 = arith.select %eq3A_62, %broadcast_in_dim3A_64, %select_n3A_49 : vector<64x2048xi1>, vector<64x2048xf32>
    %reduce_max3A_66 = arith.constant dense<0xFF800000> : vector<2048xf32>
    %reduce_max3A_67 = vector.multi_reduction <maximumf>, %select_n3A_65, %reduce_max3A_66 [0] : vector<64x2048xf32> to vector<2048xf32>
    %broadcast_in_dim3A_68 = vector.shape_cast %reduce_max3A_67 : vector<2048xf32> to vector<1x2048xf32>
    %eq3A_69 = vector.broadcast %broadcast_in_dim3A_68 : vector<1x2048xf32> to vector<64x2048xf32>
    %eq3A_70 = arith.cmpf oeq, %select_n3A_65, %eq3A_69 : vector<64x2048xf32>
    %jit3A_71 = arith.constant 64 : i32
    %broadcast_in_dim3A_72 = vector.broadcast %jit3A_71 : i32 to vector<64x2048xi32>
    %select_n3A_73 = arith.select %eq3A_70, %iota3A, %broadcast_in_dim3A_72 : vector<64x2048xi1>, vector<64x2048xi32>
    %reduce_min3A_74 = arith.constant dense<2147483647> : vector<2048xi32>
    %reduce_min3A_75 = vector.multi_reduction <minsi>, %select_n3A_73, %reduce_min3A_74 [0] : vector<64x2048xi32> to vector<2048xi32>
    %broadcast_in_dim3A_76 = vector.shape_cast %reduce_min3A_75 : vector<2048xi32> to vector<1x2048xi32>
    %eq3A_77 = vector.broadcast %broadcast_in_dim3A_76 : vector<1x2048xi32> to vector<64x2048xi32>
    %eq3A_78 = arith.cmpi eq, %iota3A, %eq3A_77 : vector<64x2048xi32>
    %jit3A_79 = arith.constant -1.000000e+00 : f32
    %broadcast_in_dim3A_80 = vector.broadcast %jit3A_79 : f32 to vector<64x2048xf32>
    %select_n3A_81 = arith.select %eq3A_78, %broadcast_in_dim3A_80, %select_n3A_65 : vector<64x2048xi1>, vector<64x2048xf32>
    %reduce_max3A_82 = arith.constant dense<0xFF800000> : vector<2048xf32>
    %reduce_max3A_83 = vector.multi_reduction <maximumf>, %select_n3A_81, %reduce_max3A_82 [0] : vector<64x2048xf32> to vector<2048xf32>
    %broadcast_in_dim3A_84 = vector.shape_cast %reduce_max3A_83 : vector<2048xf32> to vector<1x2048xf32>
    %eq3A_85 = vector.broadcast %broadcast_in_dim3A_84 : vector<1x2048xf32> to vector<64x2048xf32>
    %eq3A_86 = arith.cmpf oeq, %select_n3A_81, %eq3A_85 : vector<64x2048xf32>
    %jit3A_87 = arith.constant 64 : i32
    %broadcast_in_dim3A_88 = vector.broadcast %jit3A_87 : i32 to vector<64x2048xi32>
    %select_n3A_89 = arith.select %eq3A_86, %iota3A, %broadcast_in_dim3A_88 : vector<64x2048xi1>, vector<64x2048xi32>
    %reduce_min3A_90 = arith.constant dense<2147483647> : vector<2048xi32>
    %reduce_min3A_91 = vector.multi_reduction <minsi>, %select_n3A_89, %reduce_min3A_90 [0] : vector<64x2048xi32> to vector<2048xi32>
    %broadcast_in_dim3A_92 = vector.shape_cast %reduce_min3A_91 : vector<2048xi32> to vector<1x2048xi32>
    %eq3A_93 = vector.broadcast %broadcast_in_dim3A_92 : vector<1x2048xi32> to vector<64x2048xi32>
    %eq3A_94 = arith.cmpi eq, %iota3A, %eq3A_93 : vector<64x2048xi32>
    %jit3A_95 = arith.constant -1.000000e+00 : f32
    %broadcast_in_dim3A_96 = vector.broadcast %jit3A_95 : f32 to vector<64x2048xf32>
    %select_n3A_97 = arith.select %eq3A_94, %broadcast_in_dim3A_96, %select_n3A_81 : vector<64x2048xi1>, vector<64x2048xf32>
    %reduce_max3A_98 = arith.constant dense<0xFF800000> : vector<2048xf32>
    %reduce_max3A_99 = vector.multi_reduction <maximumf>, %select_n3A_97, %reduce_max3A_98 [0] : vector<64x2048xf32> to vector<2048xf32>
    %broadcast_in_dim3A_100 = vector.shape_cast %reduce_max3A_99 : vector<2048xf32> to vector<1x2048xf32>
    %eq3A_101 = vector.broadcast %broadcast_in_dim3A_100 : vector<1x2048xf32> to vector<64x2048xf32>
    %eq3A_102 = arith.cmpf oeq, %select_n3A_97, %eq3A_101 : vector<64x2048xf32>
    %jit3A_103 = arith.constant 64 : i32
    %broadcast_in_dim3A_104 = vector.broadcast %jit3A_103 : i32 to vector<64x2048xi32>
    %select_n3A_105 = arith.select %eq3A_102, %iota3A, %broadcast_in_dim3A_104 : vector<64x2048xi1>, vector<64x2048xi32>
    %reduce_min3A_106 = arith.constant dense<2147483647> : vector<2048xi32>
    %reduce_min3A_107 = vector.multi_reduction <minsi>, %select_n3A_105, %reduce_min3A_106 [0] : vector<64x2048xi32> to vector<2048xi32>
    %broadcast_in_dim3A_108 = vector.shape_cast %reduce_min3A_107 : vector<2048xi32> to vector<1x2048xi32>
    %eq3A_109 = vector.broadcast %broadcast_in_dim3A_108 : vector<1x2048xi32> to vector<64x2048xi32>
    %eq3A_110 = arith.cmpi eq, %iota3A, %eq3A_109 : vector<64x2048xi32>
    %jit3A_111 = arith.constant -1.000000e+00 : f32
    %broadcast_in_dim3A_112 = vector.broadcast %jit3A_111 : f32 to vector<64x2048xf32>
    %select_n3A_113 = arith.select %eq3A_110, %broadcast_in_dim3A_112, %select_n3A_97 : vector<64x2048xi1>, vector<64x2048xf32>
    %reduce_max3A_114 = arith.constant dense<0xFF800000> : vector<2048xf32>
    %reduce_max3A_115 = vector.multi_reduction <maximumf>, %select_n3A_113, %reduce_max3A_114 [0] : vector<64x2048xf32> to vector<2048xf32>
    %broadcast_in_dim3A_116 = vector.shape_cast %reduce_max3A_115 : vector<2048xf32> to vector<1x2048xf32>
    %eq3A_117 = vector.broadcast %broadcast_in_dim3A_116 : vector<1x2048xf32> to vector<64x2048xf32>
    %eq3A_118 = arith.cmpf oeq, %select_n3A_113, %eq3A_117 : vector<64x2048xf32>
    %jit3A_119 = arith.constant 64 : i32
    %broadcast_in_dim3A_120 = vector.broadcast %jit3A_119 : i32 to vector<64x2048xi32>
    %select_n3A_121 = arith.select %eq3A_118, %iota3A, %broadcast_in_dim3A_120 : vector<64x2048xi1>, vector<64x2048xi32>
    %reduce_min3A_122 = arith.constant dense<2147483647> : vector<2048xi32>
    %reduce_min3A_123 = vector.multi_reduction <minsi>, %select_n3A_121, %reduce_min3A_122 [0] : vector<64x2048xi32> to vector<2048xi32>
    %broadcast_in_dim3A_124 = vector.shape_cast %reduce_min3A_123 : vector<2048xi32> to vector<1x2048xi32>
    %eq3A_125 = vector.broadcast %broadcast_in_dim3A_124 : vector<1x2048xi32> to vector<64x2048xi32>
    %eq3A_126 = arith.cmpi eq, %iota3A, %eq3A_125 : vector<64x2048xi32>
    %jit3A_127 = arith.constant -1.000000e+00 : f32
    %broadcast_in_dim3A_128 = vector.broadcast %jit3A_127 : f32 to vector<64x2048xf32>
    %select_n3A_129 = arith.select %eq3A_126, %broadcast_in_dim3A_128, %select_n3A_113 : vector<64x2048xi1>, vector<64x2048xf32>
    %reduce_max3A_130 = arith.constant dense<0xFF800000> : vector<2048xf32>
    %reduce_max3A_131 = vector.multi_reduction <maximumf>, %select_n3A_129, %reduce_max3A_130 [0] : vector<64x2048xf32> to vector<2048xf32>
    %broadcast_in_dim3A_132 = vector.shape_cast %reduce_max3A_131 : vector<2048xf32> to vector<1x2048xf32>
    %eq3A_133 = vector.broadcast %broadcast_in_dim3A_132 : vector<1x2048xf32> to vector<64x2048xf32>
    %eq3A_134 = arith.cmpf oeq, %select_n3A_129, %eq3A_133 : vector<64x2048xf32>
    %jit3A_135 = arith.constant 64 : i32
    %broadcast_in_dim3A_136 = vector.broadcast %jit3A_135 : i32 to vector<64x2048xi32>
    %select_n3A_137 = arith.select %eq3A_134, %iota3A, %broadcast_in_dim3A_136 : vector<64x2048xi1>, vector<64x2048xi32>
    %reduce_min3A_138 = arith.constant dense<2147483647> : vector<2048xi32>
    %reduce_min3A_139 = vector.multi_reduction <minsi>, %select_n3A_137, %reduce_min3A_138 [0] : vector<64x2048xi32> to vector<2048xi32>
    %broadcast_in_dim3A_140 = vector.shape_cast %reduce_min3A_139 : vector<2048xi32> to vector<1x2048xi32>
    %concatenate3A = tpu.concatenate %broadcast_in_dim3A_24, %broadcast_in_dim3A_36, %broadcast_in_dim3A_52, %broadcast_in_dim3A_68, %broadcast_in_dim3A_84, %broadcast_in_dim3A_100, %broadcast_in_dim3A_116, %broadcast_in_dim3A_132 in 0 : vector<1x2048xf32>, vector<1x2048xf32>, vector<1x2048xf32>, vector<1x2048xf32>, vector<1x2048xf32>, vector<1x2048xf32>, vector<1x2048xf32>, vector<1x2048xf32> -> vector<8x2048xf32>
    %concatenate3A_141 = tpu.concatenate %broadcast_in_dim3A_28, %broadcast_in_dim3A_44, %broadcast_in_dim3A_60, %broadcast_in_dim3A_76, %broadcast_in_dim3A_92, %broadcast_in_dim3A_108, %broadcast_in_dim3A_124, %broadcast_in_dim3A_140 in 0 : vector<1x2048xi32>, vector<1x2048xi32>, vector<1x2048xi32>, vector<1x2048xi32>, vector<1x2048xi32>, vector<1x2048xi32>, vector<1x2048xi32>, vector<1x2048xi32> -> vector<8x2048xi32>
    %reduce_sum3A_142 = arith.constant dense<0.000000e+00> : vector<2048xf32>
    %reduce_sum3A_143 = vector.multi_reduction <add>, %concatenate3A, %reduce_sum3A_142 [0] : vector<8x2048xf32> to vector<2048xf32>
    %broadcast_in_dim3A_144 = vector.shape_cast %reduce_sum3A_143 : vector<2048xf32> to vector<1x2048xf32>
    %div3A_145 = vector.broadcast %broadcast_in_dim3A_144 : vector<1x2048xf32> to vector<8x2048xf32>
    %div3A_146 = arith.divf %concatenate3A, %div3A_145 : vector<8x2048xf32>
    %swap3A_147 = arith.constant 0 : index
    %swap3A_148 = arith.constant 0 : index
    %swap3A_149 = arith.constant 0 : index
    %swap3A_150 = vector.load %arg6[%swap3A_147, %swap3A_148, %swap3A_149] : memref<1x8x2048xf32, #tpu.memory_space<vmem>>, vector<1x8x2048xf32>
    %swap3A_151 = vector.shape_cast %swap3A_150 : vector<1x8x2048xf32> to vector<8x2048xf32>
    %swap3A_152 = vector.shape_cast %div3A_146 : vector<8x2048xf32> to vector<1x8x2048xf32>
    tpu.vector_store %arg6[%swap3A_147, %swap3A_148, %swap3A_149], %swap3A_152 {strides = array<i32>} : memref<1x8x2048xf32, #tpu.memory_space<vmem>>, vector<1x8x2048xf32>,
    %swap3A_153 = arith.constant 0 : index
    %swap3A_154 = arith.constant 0 : index
    %swap3A_155 = arith.constant 0 : index
    %swap3A_156 = vector.load %arg7[%swap3A_153, %swap3A_154, %swap3A_155] : memref<1x8x2048xi32, #tpu.memory_space<vmem>>, vector<1x8x2048xi32>
    %swap3A_157 = vector.shape_cast %swap3A_156 : vector<1x8x2048xi32> to vector<8x2048xi32>
    %swap3A_158 = vector.shape_cast %concatenate3A_141 : vector<8x2048xi32> to vector<1x8x2048xi32>
    tpu.vector_store %arg7[%swap3A_153, %swap3A_154, %swap3A_155], %swap3A_158 {strides = array<i32>} : memref<1x8x2048xi32, #tpu.memory_space<vmem>>, vector<1x8x2048xi32>,
    %swap3A_159 = arith.constant 0 : index
    %swap3A_160 = arith.constant 0 : index
    %swap3A_161 = vector.load %arg8[%swap3A_159, %swap3A_160] : memref<8x2048xi32, #tpu.memory_space<vmem>>, vector<8x2048xi32>
    tpu.vector_store %arg8[%swap3A_159, %swap3A_160], %concatenate3A_141 {strides = array<i32>} : memref<8x2048xi32, #tpu.memory_space<vmem>>, vector<8x2048xi32>,
    return
  }
  func.func @transform_0(%arg0: i32, %arg1: i32) -> (i32, i32, i32) {
    %c0_i32 = arith.constant 0 : i32
    %c0_i32_0 = arith.constant 0 : i32
    return %arg0, %c0_i32, %arg1 : i32, i32, i32
  }
  func.func @transform_1(%arg0: i32, %arg1: i32) -> (i32, i32) {
    %c0_i32 = arith.constant 0 : i32
    %c0_i32_0 = arith.constant 0 : i32
    %c0_i32_1 = arith.constant 0 : i32
    return %c0_i32, %c0_i32_0 : i32, i32
  }
  func.func @transform_2(%arg0: i32, %arg1: i32) -> (i32, i32) {
    %c0_i32 = arith.constant 0 : i32
    %c0_i32_0 = arith.constant 0 : i32
    %c0_i32_1 = arith.constant 0 : i32
    return %c0_i32, %c0_i32_0 : i32, i32
  }
  func.func @transform_3(%arg0: i32, %arg1: i32) -> (i32, i32, i32) {
    %c0_i32 = arith.constant 0 : i32
    %c0_i32_0 = arith.constant 0 : i32
    return %arg0, %c0_i32, %arg1 : i32, i32, i32
  }
  func.func @transform_4(%arg0: i32, %arg1: i32) -> (i32, i32, i32) {
    %c0_i32 = arith.constant 0 : i32
    %c0_i32_0 = arith.constant 0 : i32
    return %arg0, %c0_i32, %arg1 : i32, i32, i32
  }
  func.func @transform_5(%arg0: i32, %arg1: i32) -> (i32, i32, i32) {
    %c0_i32 = arith.constant 0 : i32
    %c0_i32_0 = arith.constant 0 : i32
    return %arg0, %c0_i32, %arg1 : i32, i32, i32
  }
  func.func @transform_6(%arg0: i32, %arg1: i32) -> (i32, i32) {
    %mul3A = arith.constant 8 : i32
    %mul3A_0 = arith.muli %arg0, %mul3A : i32
    %add3A = arith.addi %mul3A_0, %arg1 : i32
    %c0_i32 = arith.constant 0 : i32
    %c0_i32_1 = arith.constant 0 : i32
    return %c0_i32, %add3A : i32, i32
  }
}

</mosaic_0001>

<sc_bundles>
// kernel: kernel.4.cloned.1.call-start
scs
__scs_entry_jumppad:
0x0: {  	(pc) =	sbr.rel $0x88, $3  }
0x1: {  	(tag) =	ssettag $0x0;
	lr =	simm.s32 $0x1  }
0x2: {  	[smem:$0x3F9E] =	sst lr;
	_ =	strace $0xD0000000  }
0x3: {  	_ = 	snop  }
0x4: {  	_ = 	snop  }
0x5: {  	_ = 	snop  }
0x6: {  	_ = 	snop  }
0x7: {  	_ = 	snop  }
__scs_overlays_trampoline_lowered:
0x8: {  	[smem:$0x3FAD] =	sst s0  }
0x9: {  	[smem:$0x3FAE] =	sst s1  }
0xa: {  	[smem:$0x3FAF] =	sst s2  }
0xb: {  	[smem:$0x3FB0] =	sst s3  }
0xc: {  	[smem:$0x3FB1] =	sst s4  }
0xd: {  	[smem:$0x3FB2] =	sst s5  }
0xe: {  	[smem:$0x3FB3] =	sst s6  }
0xf: {  	[smem:$0x3FB4] =	sst s7  }
0x10: {  	[smem:$0x3FB5] =	sst s8  }
0x11: {  	[smem:$0x3FB6] =	sst s9;
	s0 =	simm.s32 @!p0 $0x0  }
0x12: {  	s1 =	sld [smem:$0x3F9C];
	s0 =	simm.s32 @p0 $0x1  }
0x13: {  	[smem:$0x3FB7] =	sst s0;
	s0 =	simm.s32 @!p1 $0x0  }
0x14: {  	s2 =	sld [smem:$0x3F9B];
	s0 =	simm.s32 @p1 $0x1  }
0x15: {  	[smem:$0x3FB8] =	sst s0;
	s0 =	simm.s32 @!p2 $0x0  }
0x16: {  	s3 =	sld [smem:$0x3FDB];
	s0 =	simm.s32 @p2 $0x1  }
0x17: {  	s4 =	simm.s32 $0x1BF5;
	[smem:$0x3FBA] =	sst s0  }
0x18: {  	s0 =	sld [smem:$0x3F9D];
	_ =	swait.ge [sflag:s4], $0x0  }
0x19: {  	s7 =	sld [smem:$0x3F9E]  }
0x1a: {  	s8 =	sadd.s32 $0xFFFFE003, lr  }
0x1b: {  	s9 =	sadd.s32 $0xFFFFFEF7, lr;
	s5 =	simm.s32 $0xFFFFFFFF;
	p2 =	slt.u32 s8, $0xFFFFF086  }
0x1c: {  	p1 =	slt.u32 s9, $0xF7A;
	s5 =	simm.s32 @!p2 $0x0  }
0x1d: {  	s5 =	simm.s32 @p1 $0x1;
	p0 =	seq.s32 s7, s2  }
0x1e: {  	s7 =	smul.u32 @!p0 $0xF7A, s2;
	p2 =	seq.s32 @!p0 s5, $0x0  }
0x1f: {  	s9 =	smul.u32 $0xF7A, s1;
	s8 =	simm.s32 @!p0 $0x1BF5;
	p2 =	por !p2, p0  }
0x20: {  	[sflag:s8] =	ssyncset.s32 @!p0 $0xFFFFF086;
	s6 =	sadd.s32 @!p0 s3, s7;
	s7 =	simm.s32 @!p0 $0x108  }
0x21: {  	s3 =	sadd.s32 s3, s9;
	s6 =	sadd.s32 @!p0 $0x88, s6;
	s7 =	simm.s32 @p2 $0x1082  }
0x22: {  	[simem:s7], [sflag:s8] =	dma.local @!p0 [hbm:s6], $0xF7A  }
0x23: {  	s9 =	sor.u32 $0xD0000000, s2;
	s6 =	simm.s32 $0x108;
	_ =	swait.ge @!p0 [sflag:s8], $0x0  }
0x24: {  	s3 =	sadd.s32 $0x88, s3;
	s6 =	simm.s32 @!p1 $0x1082;
	[sflag:s4] =	ssyncset.s32 $0xFFFFF086  }
0x25: {  	[simem:s6], [sflag:s4] =	dma.local [hbm:s3], $0xF7A  }
0x26: {  	[smem:$0x3F9E] =	sst s1;
	(tag) =	ssettag s2;
	_ =	strace s9  }
0x27: {  	s1 =	sld [smem:$0x3FAE]  }
0x28: {  	s2 =	sld [smem:$0x3FAF]  }
0x29: {  	s4 =	sld [smem:$0x3FB1]  }
0x2a: {  	p0 =	seq.s32 s5, $0x0;
	s5 =	sld [smem:$0x3FB2]  }
0x2b: {  	s6 =	sld [smem:$0x3FB3]  }
0x2c: {  	s7 =	sld [smem:$0x3FB4]  }
0x2d: {  	s3 =	simm.s32 $0x108;
	s8 =	sld [smem:$0x3FB5]  }
0x2e: {  	s3 =	simm.s32 @!p0 $0x1082;
	s9 =	sld [smem:$0x3FB6]  }
0x2f: {  	lr =	sadd.s32 s0, s3;
	s0 =	sld [smem:$0x3FAD]  }
0x30: {  	s3 =	sld [smem:$0x3FB0]  }
0x31: {  	[smem:$0x3FB9] =	sst s10  }
0x32: {  	s10 =	sld [smem:$0x3FB7];
	_ =	sdelay $0x3  }
0x33: {  	p0 =	seq.s32 s10, $0x1;
	s10 =	sld [smem:$0x3FB9];
	_ =	sdelay $0x3  }
0x34: {  	[smem:$0x3FB9] =	sst s10  }
0x35: {  	s10 =	sld [smem:$0x3FB8];
	_ =	sdelay $0x3  }
0x36: {  	p1 =	seq.s32 s10, $0x1;
	s10 =	sld [smem:$0x3FB9];
	_ =	sdelay $0x3  }
0x37: {  	[smem:$0x3FB9] =	sst s10  }
0x38: {  	s10 =	sld [smem:$0x3FBA]  }
0x39: {  	_ = 	snop;
	(pc) =	sbr.ind lr, $3  }
0x3a: {  	_ = 	snop  }
0x3b: {  	_ = 	snop  }
0x3c: {  	p2 =	seq.s32 s10, $0x1;
	s10 =	sld [smem:$0x3FB9]  }
0x3d: {  	_ =	shalt  }
0x3e: {  	_ =	shalt  }
0x3f: {  	_ =	shalt  }
0x40: {  	_ =	shalt  }
0x41: {  	_ =	shalt  }
0x42: {  	_ =	shalt  }
0x43: {  	_ =	shalt  }
0x44: {  	_ =	shalt  }
0x45: {  	_ =	shalt  }
0x46: {  	_ =	shalt  }
0x47: {  	_ =	shalt  }
0x48: {  	_ =	shalt  }
0x49: {  	_ =	shalt  }
0x4a: {  	_ =	shalt  }
0x4b: {  	_ =	shalt  }
0x4c: {  	_ =	shalt  }
0x4d: {  	_ =	shalt  }
0x4e: {  	_ =	shalt  }
0x4f: {  	_ =	shalt  }
0x50: {  	_ =	shalt  }
0x51: {  	_ =	shalt  }
0x52: {  	_ =	shalt  }
0x53: {  	_ =	shalt  }
0x54: {  	_ =	shalt  }
0x55: {  	_ =	shalt  }
0x56: {  	_ =	shalt  }
0x57: {  	_ =	shalt  }
0x58: {  	_ =	shalt  }
0x59: {  	_ =	shalt  }
0x5a: {  	_ =	shalt  }
0x5b: {  	_ =	shalt  }
0x5c: {  	_ =	shalt  }
0x5d: {  	_ =	shalt  }
0x5e: {  	_ =	shalt  }
0x5f: {  	_ =	shalt  }
0x60: {  	_ =	shalt  }
0x61: {  	_ =	shalt  }
0x62: {  	_ =	shalt  }
0x63: {  	_ =	shalt  }
0x64: {  	_ =	shalt  }
0x65: {  	_ =	shalt  }
0x66: {  	_ =	shalt  }
0x67: {  	_ =	shalt  }
0x68: {  	_ =	shalt  }
0x69: {  	_ =	shalt  }
0x6a: {  	_ =	shalt  }
0x6b: {  	_ =	shalt  }
0x6c: {  	_ =	shalt  }
0x6d: {  	_ =	shalt  }
0x6e: {  	_ =	shalt  }
0x6f: {  	_ =	shalt  }
0x70: {  	_ =	shalt  }
0x71: {  	_ =	shalt  }
0x72: {  	_ =	shalt  }
0x73: {  	_ =	shalt  }
0x74: {  	_ =	shalt  }
0x75: {  	_ =	shalt  }
0x76: {  	_ =	shalt  }
0x77: {  	_ =	shalt  }
0x78: {  	_ =	shalt  }
0x79: {  	_ =	shalt  }
0x7a: {  	_ =	shalt  }
0x7b: {  	_ =	shalt  }
0x7c: {  	_ =	shalt  }
0x7d: {  	_ =	shalt  }
0x7e: {  	_ =	shalt  }
0x7f: {  	_ =	shalt  }
0x80: {  	_ =	shalt  }
0x81: {  	_ =	shalt  }
0x82: {  	_ =	shalt  }
0x83: {  	_ =	shalt  }
0x84: {  	_ =	shalt  }
0x85: {  	_ =	shalt  }
0x86: {  	_ =	shalt  }
0x87: {  	_ =	shalt  }
.Lfunc_end0:
.L_simem_size_0:
called_computation_lowered:
.L_overlay_start_0:
0x88: {  	s2 =	sld [smem:$0x3FD9]  }
0x89: {  	s3 =	sld [smem:$0x3FFE];
	_ =	sdelay $0x1  }
0x8a: {  	s1 =	srdreg.scid  }
0x8b: {  	s0 =	sand.u32 $0x1, s1  }
0x8c: {  	s14 =	sshll.u32 s0, $0xA;
	s2 =	sadd.s32 s3, s2  }
0x8d: {  	s2 =	sadd.s32 s2, s14  }
0x8e: {  	[smem:$0x3FC5] =	sst s2  }
0x8f: {  	_ = 	snop  }
0x90: {  	s2 =	sld [smem:$0x3FD0];
	_ =	sdelay $0x2  }
0x91: {  	s15 =	simm.s32 $0xA;
	s4 =	simm.s32 $0x10  }
0x92: {  	[smem:s4], [sflag:s15] =	dma.local [hbm:s2], $0x1  }
0x93: {  	_ =	swait.eq [sflag:s15], $0x1  }
0x94: {  	[sflag:s15] =	ssyncset.done $0x0  }
0x95: {  	[sflag:s15] =	ssyncadd.s32 $0xFFFFFFFF  }
0x96: {  	s16 =	sld [smem:$0x13];
	(tm) =	ssettm $0x1  }
0x97: {  	s17 =	sld [smem:$0x3FFB];
	_ =	sdelay $0x3  }
0x98: {  	_ =	strace s17  }
0x99: {  	s3 =	sld [smem:$0x3FFC];
	_ =	sdelay $0x3  }
0x9a: {  	_ =	strace s3  }
0x9b: {  	s3 =	sld [smem:$0x3FFD];
	_ =	sdelay $0x3  }
0x9c: {  	_ =	strace s3  }
0x9d: {  	_ =	strace $0x8FFFFFFF  }
0x9e: {  	s18 =	sld [smem:$0x3FDB];
	_ =	sdelay $0x1  }
0x9f: {  	s19 =	simm.s32 $_scs_section_size  }
0xa0: {  	s5 =	simm.s32 $_size__tile_overlayer_lowered;
	s6 =	simm.s32 $_tile_overlayer_lowered  }
0xa1: {  	s22 =	simm.s32 $0x1BFF;
	s21 =	sshll.u32 s6, $0x1;
	s3 =	sadd.s32 s19, s18  }
0xa2: {  	s7 =	simm.s32 $0x0;
	s20 =	sshll.u32 s5, $0x1;
	s5 =	sadd.s32 s21, s3  }
0xa3: {  	[timem:s7], [sflag:s22] =	dma.local [hbm:s5], s20  }
0xa4: {  	_ =	swait.ge [sflag:s22], s20  }
0xa5: {  	s4 =	ssub.s32 $0x0, s20;
	[sflag:s22] =	ssyncset.done $0x0  }
0xa6: {  	[sflag:s22] =	ssyncadd.s32 s4;
	_ =	sdelay $0x1  }
0xa7: {  	s23 =	simm.s32 $0x1B8B  }
0xa8: {  	_ =	swait.ge [sflag:s23], $0x1  }
0xa9: {  	[sflag:s23] =	ssyncset.done $0x0  }
0xaa: {  	s25 =	simm.s32 $0x1B8E;
	s24 =	sld [smem:$0x3FFE];
	[sflag:s23] =	ssyncadd.s32 $0xFFFFFFFF  }
0xab: {  	s26 =	simm.s32 $execute0_lowered;
	[smem:$0x3FD2] =	sst s25  }
0xac: {  	s5 =	sshll.u32 s26, $0x1;
	_ =	strace $0x80000046;
	[dreg:$0x1] =	wrdreg $0xFFFFFFFF  }
0xad: {  	s28 =	simm.s32 $_size_execute0_lowered;
	s3 =	sadd.s32 s3, s5;
	[dreg:$0x0] =	wrdreg $0x0  }
0xae: {  	s5 =	sshll.u32 s28, $0x1;
	[dreg:$0x2] =	wrdreg s3  }
0xaf: {  	[dreg:$0x3] =	wrdreg s5  }
0xb0: {  	[dreg:$0x4] =	wrdreg $0xC0  }
0xb1: {  	_ =	task [dreg:s7], $0x5FFFF  }
0xb2: {  	[dreg:$0x1] =	wrdreg $0xFFFFFFFF  }
0xb3: {  	[dreg:$0x0] =	wrdreg $0x60  }
0xb4: {  	[dreg:$0x2] =	wrdreg s24  }
0xb5: {  	[dreg:$0x3] =	wrdreg s16  }
0xb6: {  	[dreg:$0x4] =	wrdreg $0x9  }
0xb7: {  	_ =	task.clear_ibuf [dreg:s7], $0x5FFFF;
	_ =	strace $0x90000046  }
0xb8: {  	s29 =	simm.s32 $0x9;
	_ =	strace $0x80000048  }
0xb9: {  	_ =	swait.ge [sflag:s29], $0x1  }
0xba: {  	[sflag:s29] =	ssyncadd.s32 $0xFFFFFFFF  }
0xbb: {  	_ =	strace $0x90000048  }
0xbc: {  	_ =	sfence  }
0xbd: {  	s30 =	sld [smem:$0x0];
	_ =	sdelay $0x2  }
0xbe: {  	s31 =	sshll.u32 s1, $0xD;
	s1 =	sshrl.u32 s1, $0x2  }
0xbf: {  	s3 =	sand.u32 $0x4000, s31;
	s1 =	sadd.s32 s1, s30  }
0xc0: {  	s0 =	sor.u32 s3, s0;
	s1 =	sshll.u32 s1, $0x11  }
0xc1: {  	s0 =	sor.u32 s1, s0  }
0xc2: {  	s0 =	sadd.s32 $0x8F2B, s0  }
0xc3: {  	[sflag:s0] =	ssyncadd.remote.s32 $0x1  }
0xc4: {  	_ =	sfence.sel $0xFFFF  }
0xc5: {  	[dreg:$0x0] =	wrdreg $0xFFFFFFFF;
	(pc) =	sbr.abs _section_cstart, $3  }
0xc6: {  	[dreg:$0x1] =	wrdreg $0xFFFFFFFF  }
0xc7: {  	_ =	task.clear_ibuf [dreg:s7], $0x2FFFF;
	_ =	strace $0x9FFFFFFF  }
0xc8: {  	(tm) =	ssettm $0x7FFFFFFF  }
0xc9: {  	_ =	shalt  }
tec
execute0_lowered:
.L_overlay_start_1:
0x0: {  	(tag) =	ssettag $0x1  }
0x1: {  	v0 =	vlaneseq.u32  }
0x2: {  	v1 =	vimm.s32 $0x0;
	v4 =	vor.u32 $0x10, v0;
	v5 =	vor.u32 $0x20, v0  }
0x3: {  	v6 =	vor.u32 $0x30, v0;
	v7 =	vor.u32 $0x40, v0;
	v8 =	vor.u32 $0x50, v0  }
0x4: {  	v10 =	vor.u32 $0x60, v0;
	v11 =	vor.u32 $0x70, v0;
	v12 =	vor.u32 $0x80, v0  }
0x5: {  	v13 =	vor.u32 $0x90, v0;
	v14 =	vor.u32 $0xA0, v0;
	v15 =	vor.u32 $0xB0, v0  }
0x6: {  	v16 =	vor.u32 $0xC0, v0;
	v17 =	vor.u32 $0xD0, v0;
	v18 =	vor.u32 $0xE0, v0  }
0x7: {  	v19 =	vor.u32 $0xF0, v0;
	v20 =	vor.u32 $0x100, v0;
	v21 =	vor.u32 $0x110, v0  }
0x8: {  	v22 =	vor.u32 $0x120, v0;
	v23 =	vor.u32 $0x130, v0;
	v24 =	vor.u32 $0x140, v0  }
0x9: {  	v25 =	vor.u32 $0x150, v0;
	v26 =	vor.u32 $0x160, v0;
	v27 =	vor.u32 $0x170, v0  }
0xa: {  	v28 =	vor.u32 $0x180, v0;
	v29 =	vor.u32 $0x190, v0;
	v30 =	vor.u32 $0x1A0, v0  }
0xb: {  	v31 =	vor.u32 $0x1B0, v0;
	v32 =	vor.u32 $0x1C0, v0;
	v33 =	vor.u32 $0x1D0, v0  }
0xc: {  	v34 =	vor.u32 $0x1E0, v0;
	v35 =	vor.u32 $0x1F0, v0;
	v36 =	vor.u32 $0x200, v0  }
0xd: {  	v37 =	vor.u32 $0x210, v0;
	v38 =	vor.u32 $0x220, v0;
	v39 =	vor.u32 $0x230, v0  }
0xe: {  	s3 =	rddreg [dreg:$0x0];
	v40 =	vor.u32 $0x240, v0;
	v41 =	vor.u32 $0x250, v0;
	v42 =	vor.u32 $0x260, v0  }
0xf: {  	s4 =	rddreg [dreg:$0x1];
	s2 =	srdreg.scid;
	v43 =	vor.u32 $0x270, v0;
	v44 =	vor.u32 $0x280, v0;
	v45 =	vor.u32 $0x290, v0  }
0x10: {  	s0 =	rddreg [dreg:$0x2];
	s1 =	simm.s32 $0x0;
	s5 =	sand.u32 $0x1, s2;
	v46 =	vor.u32 $0x2A0, v0;
	v47 =	vor.u32 $0x2B0, v0;
	v48 =	vor.u32 $0x2C0, v0  }
0x11: {  	[smem:$0x7FF] =	sst s1;
	s2 =	stileid.u32;
	v49 =	vor.u32 $0x2D0, v0;
	v50 =	vor.u32 $0x2E0, v0;
	v51 =	vor.u32 $0x2F0, v0;
	s6 =	ssub.s32 $0x2, s5  }
0x12: {  	v2 =	vimm.s32 $0x1;
	v52 =	vor.u32 $0x300, v0;
	v3 =	vor.u32 $0x3D0, v0;
	_ =	strace $0x80000047;
	s7 =	sshll.u32 s2, $0xC;
	s5 =	sshll.u32 s5, $0xB  }
0x13: {  	v53 =	vor.u32 $0x310, v0;
	v54 =	vor.u32 $0x320, v0;
	v55 =	vor.u32 $0x330, v0;
	[tilespmem:$0x1FFC0] =	vst v3;
	s8 =	sshrl.u32 s6, $0x1;
	s9 =	sadd.s32 s7, s3;
	s7 =	sadd.s32 s7, s4  }
0x14: {  	v56 =	vor.u32 $0x340, v0;
	v57 =	vor.u32 $0x350, v0;
	v58 =	vor.u32 $0x360, v0;
	[tilespmem:$0x1FFD0] =	vst v8;
	s30 =	ssub.s32 s6, s8;
	s31 =	sadd.s32 s5, s9;
	s5 =	sadd.s32 s5, s7  }
0x15: {  	v59 =	vor.u32 $0x370, v0;
	v60 =	vor.u32 $0x380, v0;
	v61 =	vor.u32 $0x390, v0;
	[tilespmem:$0x1FFE0] =	vst v6;
	s6 =	simm.s32 $0x1;
	s7 =	simm.s32 $0x400;
	s8 =	simm.s32 $0x80000  }
0x16: {  	v62 =	vor.u32 $0x3A0, v0;
	v63 =	vor.u32 $0x3B0, v0;
	v9 =	vor.u32 $0x3C0, v0;
	[tilespmem:$0x1FFF0] =	vst v4;
	s9 =	simm.s32 $0x0;
	s3 =	smax.u32 s30, $0x1;
	s4 =	sadd.s32 $0x81400, s31  }
.LBB2_1:
0x17: {  	s10 =	simm.s32 $0x0  }
.LBB2_2:
0x18: {  	p0 =	sne.s32 s10, $0xFFF0  }
.Ltmp0:
0x19: {  	_ = 	snop;
	(pc) =	sbr.rel @p0 .LBB2_2-.Ltmp0, $3  }
0x1a: {  	_ =	sdelay $0x1  }
0x1b: {  	s11 =	sand.u32 $0xFFF0, s10  }
0x1c: {  	s10 =	sadd.s32 $0x10, s10;
	[tilespmem:s11+$0x400] =	vst v1  }
0x1d: {  	s10 =	simm.s32 $0x0  }
.LBB2_4:
0x1e: {  	s11 =	sadd.s32 s10, s4  }
0x1f: {  	[tilespmem:s1], [sflag:$0x1] =	stream.linear.gather [hbm4b:s11+s1], $0x400, $0x38;
	[tilespmem:$0x10400] =	vst v63  }
0x20: {  	_ =	swait.ge [sflag:s6], $0x400  }
0x21: {  	[sflag:s6] =	ssyncset.done $0x0  }
0x22: {  	[sflag:s6] =	ssyncadd.s32 $0xFFFFFC00  }
0x23: {  	v3 =	vld [tilespmem:$0x0];
	_ =	sdelay $0x4  }
0x24: {  	v3 =	vshll.u32 v3, $0xA  }
0x25: {  	v3 =	vor.u32 v0, v3;
	_ =	sdelay $0x4  }
0x26: {  	[tilespmem:v3+s7+$0x0] =	vst.idx.msk $0xffff, v2  }
0x27: {  	v3 =	vld [tilespmem:$0x10];
	_ =	sdelay $0x4  }
0x28: {  	v3 =	vshll.u32 v3, $0xA  }
0x29: {  	v3 =	vor.u32 v4, v3;
	_ =	sdelay $0x4  }
0x2a: {  	[tilespmem:v3+s7+$0x0] =	vst.idx.msk $0xffff, v2  }
0x2b: {  	v3 =	vld [tilespmem:$0x20];
	_ =	sdelay $0x4  }
0x2c: {  	v3 =	vshll.u32 v3, $0xA  }
0x2d: {  	v3 =	vor.u32 v5, v3;
	_ =	sdelay $0x4  }
0x2e: {  	[tilespmem:v3+s7+$0x0] =	vst.idx.msk $0xffff, v2  }
0x2f: {  	v3 =	vld [tilespmem:$0x30];
	_ =	sdelay $0x4  }
0x30: {  	v3 =	vshll.u32 v3, $0xA  }
0x31: {  	v3 =	vor.u32 v6, v3;
	_ =	sdelay $0x4  }
0x32: {  	[tilespmem:v3+s7+$0x0] =	vst.idx.msk $0xffff, v2  }
0x33: {  	v3 =	vld [tilespmem:$0x40];
	_ =	sdelay $0x4  }
0x34: {  	v3 =	vshll.u32 v3, $0xA  }
0x35: {  	v3 =	vor.u32 v7, v3;
	_ =	sdelay $0x4  }
0x36: {  	[tilespmem:v3+s7+$0x0] =	vst.idx.msk $0xffff, v2  }
0x37: {  	v3 =	vld [tilespmem:$0x50];
	_ =	sdelay $0x4  }
0x38: {  	v3 =	vshll.u32 v3, $0xA  }
0x39: {  	v3 =	vor.u32 v8, v3;
	_ =	sdelay $0x4  }
0x3a: {  	[tilespmem:v3+s7+$0x0] =	vst.idx.msk $0xffff, v2  }
0x3b: {  	v3 =	vld [tilespmem:$0x60];
	_ =	sdelay $0x4  }
0x3c: {  	v3 =	vshll.u32 v3, $0xA  }
0x3d: {  	v3 =	vor.u32 v10, v3;
	_ =	sdelay $0x4  }
0x3e: {  	[tilespmem:v3+s7+$0x0] =	vst.idx.msk $0xffff, v2  }
0x3f: {  	v3 =	vld [tilespmem:$0x70];
	_ =	sdelay $0x4  }
0x40: {  	v3 =	vshll.u32 v3, $0xA  }
0x41: {  	v3 =	vor.u32 v11, v3;
	_ =	sdelay $0x4  }
0x42: {  	[tilespmem:v3+s7+$0x0] =	vst.idx.msk $0xffff, v2  }
0x43: {  	v3 =	vld [tilespmem:$0x80];
	_ =	sdelay $0x4  }
0x44: {  	v3 =	vshll.u32 v3, $0xA  }
0x45: {  	v3 =	vor.u32 v12, v3;
	_ =	sdelay $0x4  }
0x46: {  	[tilespmem:v3+s7+$0x0] =	vst.idx.msk $0xffff, v2  }
0x47: {  	v3 =	vld [tilespmem:$0x90];
	_ =	sdelay $0x4  }
0x48: {  	v3 =	vshll.u32 v3, $0xA  }
0x49: {  	v3 =	vor.u32 v13, v3;
	_ =	sdelay $0x4  }
0x4a: {  	[tilespmem:v3+s7+$0x0] =	vst.idx.msk $0xffff, v2  }
0x4b: {  	v3 =	vld [tilespmem:$0xA0];
	_ =	sdelay $0x4  }
0x4c: {  	v3 =	vshll.u32 v3, $0xA  }
0x4d: {  	v3 =	vor.u32 v14, v3;
	_ =	sdelay $0x4  }
0x4e: {  	[tilespmem:v3+s7+$0x0] =	vst.idx.msk $0xffff, v2  }
0x4f: {  	v3 =	vld [tilespmem:$0xB0];
	_ =	sdelay $0x4  }
0x50: {  	v3 =	vshll.u32 v3, $0xA  }
0x51: {  	v3 =	vor.u32 v15, v3;
	_ =	sdelay $0x4  }
0x52: {  	[tilespmem:v3+s7+$0x0] =	vst.idx.msk $0xffff, v2  }
0x53: {  	v3 =	vld [tilespmem:$0xC0];
	_ =	sdelay $0x4  }
0x54: {  	v3 =	vshll.u32 v3, $0xA  }
0x55: {  	v3 =	vor.u32 v16, v3;
	_ =	sdelay $0x4  }
0x56: {  	[tilespmem:v3+s7+$0x0] =	vst.idx.msk $0xffff, v2  }
0x57: {  	v3 =	vld [tilespmem:$0xD0];
	_ =	sdelay $0x4  }
0x58: {  	v3 =	vshll.u32 v3, $0xA  }
0x59: {  	v3 =	vor.u32 v17, v3;
	_ =	sdelay $0x4  }
0x5a: {  	[tilespmem:v3+s7+$0x0] =	vst.idx.msk $0xffff, v2  }
0x5b: {  	v3 =	vld [tilespmem:$0xE0];
	_ =	sdelay $0x4  }
0x5c: {  	v3 =	vshll.u32 v3, $0xA  }
0x5d: {  	v3 =	vor.u32 v18, v3;
	_ =	sdelay $0x4  }
0x5e: {  	[tilespmem:v3+s7+$0x0] =	vst.idx.msk $0xffff, v2  }
0x5f: {  	v3 =	vld [tilespmem:$0xF0];
	_ =	sdelay $0x4  }
0x60: {  	v3 =	vshll.u32 v3, $0xA  }
0x61: {  	v3 =	vor.u32 v19, v3;
	_ =	sdelay $0x4  }
0x62: {  	[tilespmem:v3+s7+$0x0] =	vst.idx.msk $0xffff, v2  }
0x63: {  	v3 =	vld [tilespmem:$0x100];
	_ =	sdelay $0x4  }
0x64: {  	v3 =	vshll.u32 v3, $0xA  }
0x65: {  	v3 =	vor.u32 v20, v3;
	_ =	sdelay $0x4  }
0x66: {  	[tilespmem:v3+s7+$0x0] =	vst.idx.msk $0xffff, v2  }
0x67: {  	v3 =	vld [tilespmem:$0x110];
	_ =	sdelay $0x4  }
0x68: {  	v3 =	vshll.u32 v3, $0xA  }
0x69: {  	v3 =	vor.u32 v21, v3;
	_ =	sdelay $0x4  }
0x6a: {  	[tilespmem:v3+s7+$0x0] =	vst.idx.msk $0xffff, v2  }
0x6b: {  	v3 =	vld [tilespmem:$0x120];
	_ =	sdelay $0x4  }
0x6c: {  	v3 =	vshll.u32 v3, $0xA  }
0x6d: {  	v3 =	vor.u32 v22, v3;
	_ =	sdelay $0x4  }
0x6e: {  	[tilespmem:v3+s7+$0x0] =	vst.idx.msk $0xffff, v2  }
0x6f: {  	v3 =	vld [tilespmem:$0x130];
	_ =	sdelay $0x4  }
0x70: {  	v3 =	vshll.u32 v3, $0xA  }
0x71: {  	v3 =	vor.u32 v23, v3;
	_ =	sdelay $0x4  }
0x72: {  	[tilespmem:v3+s7+$0x0] =	vst.idx.msk $0xffff, v2  }
0x73: {  	v3 =	vld [tilespmem:$0x140];
	_ =	sdelay $0x4  }
0x74: {  	v3 =	vshll.u32 v3, $0xA  }
0x75: {  	v3 =	vor.u32 v24, v3;
	_ =	sdelay $0x4  }
0x76: {  	[tilespmem:v3+s7+$0x0] =	vst.idx.msk $0xffff, v2  }
0x77: {  	v3 =	vld [tilespmem:$0x150];
	_ =	sdelay $0x4  }
0x78: {  	v3 =	vshll.u32 v3, $0xA  }
0x79: {  	v3 =	vor.u32 v25, v3;
	_ =	sdelay $0x4  }
0x7a: {  	[tilespmem:v3+s7+$0x0] =	vst.idx.msk $0xffff, v2  }
0x7b: {  	v3 =	vld [tilespmem:$0x160];
	_ =	sdelay $0x4  }
0x7c: {  	v3 =	vshll.u32 v3, $0xA  }
0x7d: {  	v3 =	vor.u32 v26, v3;
	_ =	sdelay $0x4  }
0x7e: {  	[tilespmem:v3+s7+$0x0] =	vst.idx.msk $0xffff, v2  }
0x7f: {  	v3 =	vld [tilespmem:$0x170];
	_ =	sdelay $0x4  }
0x80: {  	v3 =	vshll.u32 v3, $0xA  }
0x81: {  	v3 =	vor.u32 v27, v3;
	_ =	sdelay $0x4  }
0x82: {  	[tilespmem:v3+s7+$0x0] =	vst.idx.msk $0xffff, v2  }
0x83: {  	v3 =	vld [tilespmem:$0x180];
	_ =	sdelay $0x4  }
0x84: {  	v3 =	vshll.u32 v3, $0xA  }
0x85: {  	v3 =	vor.u32 v28, v3;
	_ =	sdelay $0x4  }
0x86: {  	[tilespmem:v3+s7+$0x0] =	vst.idx.msk $0xffff, v2  }
0x87: {  	v3 =	vld [tilespmem:$0x190];
	_ =	sdelay $0x4  }
0x88: {  	v3 =	vshll.u32 v3, $0xA  }
0x89: {  	v3 =	vor.u32 v29, v3;
	_ =	sdelay $0x4  }
0x8a: {  	[tilespmem:v3+s7+$0x0] =	vst.idx.msk $0xffff, v2  }
0x8b: {  	v3 =	vld [tilespmem:$0x1A0];
	_ =	sdelay $0x4  }
0x8c: {  	v3 =	vshll.u32 v3, $0xA  }
0x8d: {  	v3 =	vor.u32 v30, v3;
	_ =	sdelay $0x4  }
0x8e: {  	[tilespmem:v3+s7+$0x0] =	vst.idx.msk $0xffff, v2  }
0x8f: {  	v3 =	vld [tilespmem:$0x1B0];
	_ =	sdelay $0x4  }
0x90: {  	v3 =	vshll.u32 v3, $0xA  }
0x91: {  	v3 =	vor.u32 v31, v3;
	_ =	sdelay $0x4  }
0x92: {  	[tilespmem:v3+s7+$0x0] =	vst.idx.msk $0xffff, v2  }
0x93: {  	v3 =	vld [tilespmem:$0x1C0];
	_ =	sdelay $0x4  }
0x94: {  	v3 =	vshll.u32 v3, $0xA  }
0x95: {  	v3 =	vor.u32 v32, v3;
	_ =	sdelay $0x4  }
0x96: {  	[tilespmem:v3+s7+$0x0] =	vst.idx.msk $0xffff, v2  }
0x97: {  	v3 =	vld [tilespmem:$0x1D0];
	_ =	sdelay $0x4  }
0x98: {  	v3 =	vshll.u32 v3, $0xA  }
0x99: {  	v3 =	vor.u32 v33, v3;
	_ =	sdelay $0x4  }
0x9a: {  	[tilespmem:v3+s7+$0x0] =	vst.idx.msk $0xffff, v2  }
0x9b: {  	v3 =	vld [tilespmem:$0x1E0];
	_ =	sdelay $0x4  }
0x9c: {  	v3 =	vshll.u32 v3, $0xA  }
0x9d: {  	v3 =	vor.u32 v34, v3;
	_ =	sdelay $0x4  }
0x9e: {  	[tilespmem:v3+s7+$0x0] =	vst.idx.msk $0xffff, v2  }
0x9f: {  	v3 =	vld [tilespmem:$0x1F0];
	_ =	sdelay $0x4  }
0xa0: {  	v3 =	vshll.u32 v3, $0xA  }
0xa1: {  	v3 =	vor.u32 v35, v3;
	_ =	sdelay $0x4  }
0xa2: {  	[tilespmem:v3+s7+$0x0] =	vst.idx.msk $0xffff, v2  }
0xa3: {  	v3 =	vld [tilespmem:$0x200];
	_ =	sdelay $0x4  }
0xa4: {  	v3 =	vshll.u32 v3, $0xA  }
0xa5: {  	v3 =	vor.u32 v36, v3;
	_ =	sdelay $0x4  }
0xa6: {  	[tilespmem:v3+s7+$0x0] =	vst.idx.msk $0xffff, v2  }
0xa7: {  	v3 =	vld [tilespmem:$0x210];
	_ =	sdelay $0x4  }
0xa8: {  	v3 =	vshll.u32 v3, $0xA  }
0xa9: {  	v3 =	vor.u32 v37, v3;
	_ =	sdelay $0x4  }
0xaa: {  	[tilespmem:v3+s7+$0x0] =	vst.idx.msk $0xffff, v2  }
0xab: {  	v3 =	vld [tilespmem:$0x220];
	_ =	sdelay $0x4  }
0xac: {  	v3 =	vshll.u32 v3, $0xA  }
0xad: {  	v3 =	vor.u32 v38, v3;
	_ =	sdelay $0x4  }
0xae: {  	[tilespmem:v3+s7+$0x0] =	vst.idx.msk $0xffff, v2  }
0xaf: {  	v3 =	vld [tilespmem:$0x230];
	_ =	sdelay $0x4  }
0xb0: {  	v3 =	vshll.u32 v3, $0xA  }
0xb1: {  	v3 =	vor.u32 v39, v3;
	_ =	sdelay $0x4  }
0xb2: {  	[tilespmem:v3+s7+$0x0] =	vst.idx.msk $0xffff, v2  }
0xb3: {  	v3 =	vld [tilespmem:$0x240];
	_ =	sdelay $0x4  }
0xb4: {  	v3 =	vshll.u32 v3, $0xA  }
0xb5: {  	v3 =	vor.u32 v40, v3;
	_ =	sdelay $0x4  }
0xb6: {  	[tilespmem:v3+s7+$0x0] =	vst.idx.msk $0xffff, v2  }
0xb7: {  	v3 =	vld [tilespmem:$0x250];
	_ =	sdelay $0x4  }
0xb8: {  	v3 =	vshll.u32 v3, $0xA  }
0xb9: {  	v3 =	vor.u32 v41, v3;
	_ =	sdelay $0x4  }
0xba: {  	[tilespmem:v3+s7+$0x0] =	vst.idx.msk $0xffff, v2  }
0xbb: {  	v3 =	vld [tilespmem:$0x260];
	_ =	sdelay $0x4  }
0xbc: {  	v3 =	vshll.u32 v3, $0xA  }
0xbd: {  	v3 =	vor.u32 v42, v3;
	_ =	sdelay $0x4  }
0xbe: {  	[tilespmem:v3+s7+$0x0] =	vst.idx.msk $0xffff, v2  }
0xbf: {  	v3 =	vld [tilespmem:$0x270];
	_ =	sdelay $0x4  }
0xc0: {  	v3 =	vshll.u32 v3, $0xA  }
0xc1: {  	v3 =	vor.u32 v43, v3;
	_ =	sdelay $0x4  }
0xc2: {  	[tilespmem:v3+s7+$0x0] =	vst.idx.msk $0xffff, v2  }
0xc3: {  	v3 =	vld [tilespmem:$0x280];
	_ =	sdelay $0x4  }
0xc4: {  	v3 =	vshll.u32 v3, $0xA  }
0xc5: {  	v3 =	vor.u32 v44, v3;
	_ =	sdelay $0x4  }
0xc6: {  	[tilespmem:v3+s7+$0x0] =	vst.idx.msk $0xffff, v2  }
0xc7: {  	v3 =	vld [tilespmem:$0x290];
	_ =	sdelay $0x4  }
0xc8: {  	v3 =	vshll.u32 v3, $0xA  }
0xc9: {  	v3 =	vor.u32 v45, v3;
	_ =	sdelay $0x4  }
0xca: {  	[tilespmem:v3+s7+$0x0] =	vst.idx.msk $0xffff, v2  }
0xcb: {  	v3 =	vld [tilespmem:$0x2A0];
	_ =	sdelay $0x4  }
0xcc: {  	v3 =	vshll.u32 v3, $0xA  }
0xcd: {  	v3 =	vor.u32 v46, v3;
	_ =	sdelay $0x4  }
0xce: {  	[tilespmem:v3+s7+$0x0] =	vst.idx.msk $0xffff, v2  }
0xcf: {  	v3 =	vld [tilespmem:$0x2B0];
	_ =	sdelay $0x4  }
0xd0: {  	v3 =	vshll.u32 v3, $0xA  }
0xd1: {  	v3 =	vor.u32 v47, v3;
	_ =	sdelay $0x4  }
0xd2: {  	[tilespmem:v3+s7+$0x0] =	vst.idx.msk $0xffff, v2  }
0xd3: {  	v3 =	vld [tilespmem:$0x2C0];
	_ =	sdelay $0x4  }
0xd4: {  	v3 =	vshll.u32 v3, $0xA  }
0xd5: {  	v3 =	vor.u32 v48, v3;
	_ =	sdelay $0x4  }
0xd6: {  	[tilespmem:v3+s7+$0x0] =	vst.idx.msk $0xffff, v2  }
0xd7: {  	v3 =	vld [tilespmem:$0x2D0];
	_ =	sdelay $0x4  }
0xd8: {  	v3 =	vshll.u32 v3, $0xA  }
0xd9: {  	v3 =	vor.u32 v49, v3;
	_ =	sdelay $0x4  }
0xda: {  	[tilespmem:v3+s7+$0x0] =	vst.idx.msk $0xffff, v2  }
0xdb: {  	v3 =	vld [tilespmem:$0x2E0];
	_ =	sdelay $0x4  }
0xdc: {  	v3 =	vshll.u32 v3, $0xA  }
0xdd: {  	v3 =	vor.u32 v50, v3;
	_ =	sdelay $0x4  }
0xde: {  	[tilespmem:v3+s7+$0x0] =	vst.idx.msk $0xffff, v2  }
0xdf: {  	v3 =	vld [tilespmem:$0x2F0];
	_ =	sdelay $0x4  }
0xe0: {  	v3 =	vshll.u32 v3, $0xA  }
0xe1: {  	v3 =	vor.u32 v51, v3;
	_ =	sdelay $0x4  }
0xe2: {  	[tilespmem:v3+s7+$0x0] =	vst.idx.msk $0xffff, v2  }
0xe3: {  	v3 =	vld [tilespmem:$0x300];
	_ =	sdelay $0x4  }
0xe4: {  	v3 =	vshll.u32 v3, $0xA  }
0xe5: {  	v3 =	vor.u32 v52, v3;
	_ =	sdelay $0x4  }
0xe6: {  	[tilespmem:v3+s7+$0x0] =	vst.idx.msk $0xffff, v2  }
0xe7: {  	v3 =	vld [tilespmem:$0x310];
	_ =	sdelay $0x4  }
0xe8: {  	v3 =	vshll.u32 v3, $0xA  }
0xe9: {  	v3 =	vor.u32 v53, v3;
	_ =	sdelay $0x4  }
0xea: {  	[tilespmem:v3+s7+$0x0] =	vst.idx.msk $0xffff, v2  }
0xeb: {  	v3 =	vld [tilespmem:$0x320];
	_ =	sdelay $0x4  }
0xec: {  	v3 =	vshll.u32 v3, $0xA  }
0xed: {  	v3 =	vor.u32 v54, v3;
	_ =	sdelay $0x4  }
0xee: {  	[tilespmem:v3+s7+$0x0] =	vst.idx.msk $0xffff, v2  }
0xef: {  	v3 =	vld [tilespmem:$0x330];
	_ =	sdelay $0x4  }
0xf0: {  	v3 =	vshll.u32 v3, $0xA  }
0xf1: {  	v3 =	vor.u32 v55, v3;
	_ =	sdelay $0x4  }
0xf2: {  	[tilespmem:v3+s7+$0x0] =	vst.idx.msk $0xffff, v2  }
0xf3: {  	v3 =	vld [tilespmem:$0x340];
	_ =	sdelay $0x4  }
0xf4: {  	v3 =	vshll.u32 v3, $0xA  }
0xf5: {  	v3 =	vor.u32 v56, v3;
	_ =	sdelay $0x4  }
0xf6: {  	[tilespmem:v3+s7+$0x0] =	vst.idx.msk $0xffff, v2  }
0xf7: {  	v3 =	vld [tilespmem:$0x350];
	_ =	sdelay $0x4  }
0xf8: {  	v3 =	vshll.u32 v3, $0xA  }
0xf9: {  	v3 =	vor.u32 v57, v3;
	_ =	sdelay $0x4  }
0xfa: {  	[tilespmem:v3+s7+$0x0] =	vst.idx.msk $0xffff, v2  }
0xfb: {  	v3 =	vld [tilespmem:$0x360];
	_ =	sdelay $0x4  }
0xfc: {  	v3 =	vshll.u32 v3, $0xA  }
0xfd: {  	v3 =	vor.u32 v58, v3;
	_ =	sdelay $0x4  }
0xfe: {  	[tilespmem:v3+s7+$0x0] =	vst.idx.msk $0xffff, v2  }
0xff: {  	v3 =	vld [tilespmem:$0x370];
	_ =	sdelay $0x4  }
0x100: {  	v3 =	vshll.u32 v3, $0xA  }
0x101: {  	v3 =	vor.u32 v59, v3;
	_ =	sdelay $0x4  }
0x102: {  	[tilespmem:v3+s7+$0x0] =	vst.idx.msk $0xffff, v2  }
0x103: {  	v3 =	vld [tilespmem:$0x380];
	_ =	sdelay $0x4  }
0x104: {  	v3 =	vshll.u32 v3, $0xA  }
0x105: {  	v3 =	vor.u32 v60, v3;
	_ =	sdelay $0x4  }
0x106: {  	[tilespmem:v3+s7+$0x0] =	vst.idx.msk $0xffff, v2  }
0x107: {  	v3 =	vld [tilespmem:$0x390];
	_ =	sdelay $0x4  }
0x108: {  	v3 =	vshll.u32 v3, $0xA  }
0x109: {  	v3 =	vor.u32 v61, v3;
	_ =	sdelay $0x4  }
0x10a: {  	[tilespmem:v3+s7+$0x0] =	vst.idx.msk $0xffff, v2  }
0x10b: {  	v3 =	vld [tilespmem:$0x3A0];
	_ =	sdelay $0x4  }
0x10c: {  	v3 =	vshll.u32 v3, $0xA  }
0x10d: {  	v3 =	vor.u32 v62, v3;
	_ =	sdelay $0x4  }
0x10e: {  	[tilespmem:v3+s7+$0x0] =	vst.idx.msk $0xffff, v2  }
0x10f: {  	v3 =	vld [tilespmem:$0x3B0];
	_ =	sdelay $0x4  }
0x110: {  	v3 =	vshll.u32 v3, $0xA  }
0x111: {  	v3 =	vor.u32 v63, v3;
	_ =	sdelay $0x4  }
0x112: {  	[tilespmem:v3+s7+$0x0] =	vst.idx.msk $0xffff, v2  }
0x113: {  	v3 =	vld [tilespmem:$0x3C0];
	_ =	sdelay $0x4  }
0x114: {  	v3 =	vshll.u32 v3, $0xA  }
0x115: {  	v3 =	vor.u32 v9, v3;
	_ =	sdelay $0x4  }
0x116: {  	[tilespmem:v3+s7+$0x0] =	vst.idx.msk $0xffff, v2  }
0x117: {  	v3 =	vld [tilespmem:$0x3D0]  }
0x118: {  	v8 =	vld [tilespmem:$0x1FFC0];
	_ =	sdelay $0x3  }
0x119: {  	v3 =	vshll.u32 v3, $0xA  }
0x11a: {  	v3 =	vor.u32 v8, v3;
	_ =	sdelay $0x4  }
0x11b: {  	[tilespmem:v3+s7+$0x0] =	vst.idx.msk $0xffff, v2  }
0x11c: {  	v3 =	vld [tilespmem:$0x3E0];
	_ =	sdelay $0x3  }
0x11d: {  	v0 =	vlaneseq.u32  }
0x11e: {  	v4 =	vshll.u32 v3, $0xA;
	v3 =	vor.u32 $0x3E0, v0  }
0x11f: {  	v4 =	vor.u32 v3, v4;
	_ =	sdelay $0x4  }
0x120: {  	[tilespmem:v4+s7+$0x0] =	vst.idx.msk $0xffff, v2  }
0x121: {  	v4 =	vld [tilespmem:$0x3F0];
	_ =	sdelay $0x4  }
0x122: {  	v6 =	vmovc v7;
	v7 =	vmov v5;
	v5 =	vshll.u32 v4, $0xA;
	v4 =	vor.u32 $0x3F0, v0  }
0x123: {  	v5 =	vor.u32 v4, v5;
	_ =	sdelay $0x4  }
0x124: {  	s31 =	sadd.s32 s10, s5;
	[tilespmem:v5+s7+$0x0] =	vst.idx.msk $0xffff, v2  }
0x125: {  	[hbm4b:s31+s7] =	stream.strided.scatter [tilespmem:s7], [sflag:$0x1], $0x10000, s8, s7, $0x38;
	[tilespmem:$0x10400] =	vst v63  }
0x126: {  	_ =	swait.ge [sflag:s6], $0x10000  }
0x127: {  	[sflag:s6] =	ssyncset.done $0x0  }
0x128: {  	[sflag:s6] =	ssyncadd.s32 $0xFFFF0000  }
0x129: {  	v5 =	vld [tilespmem:$0x0];
	_ =	sdelay $0x4  }
0x12a: {  	v5 =	vshll.u32 v5, $0xA  }
0x12b: {  	v5 =	vor.u32 v0, v5;
	_ =	sdelay $0x4  }
0x12c: {  	[tilespmem:v5+s7+$0x0] =	vst.idx.msk $0xffff, v1  }
0x12d: {  	v5 =	vld [tilespmem:$0x10]  }
0x12e: {  	v0 =	vld [tilespmem:$0x1FFF0];
	_ =	sdelay $0x3  }
0x12f: {  	v5 =	vshll.u32 v5, $0xA  }
0x130: {  	v5 =	vor.u32 v0, v5;
	_ =	sdelay $0x4  }
0x131: {  	[tilespmem:v5+s7+$0x0] =	vst.idx.msk $0xffff, v1  }
0x132: {  	v5 =	vld [tilespmem:$0x20];
	_ =	sdelay $0x4  }
0x133: {  	v5 =	vshll.u32 v5, $0xA  }
0x134: {  	v5 =	vor.u32 v7, v5;
	_ =	sdelay $0x4  }
0x135: {  	[tilespmem:v5+s7+$0x0] =	vst.idx.msk $0xffff, v1  }
0x136: {  	v5 =	vld [tilespmem:$0x30]  }
0x137: {  	v0 =	vld [tilespmem:$0x1FFE0];
	_ =	sdelay $0x3  }
0x138: {  	v5 =	vshll.u32 v5, $0xA  }
0x139: {  	v5 =	vor.u32 v0, v5;
	_ =	sdelay $0x4  }
0x13a: {  	[tilespmem:v5+s7+$0x0] =	vst.idx.msk $0xffff, v1  }
0x13b: {  	v5 =	vld [tilespmem:$0x40];
	_ =	sdelay $0x4  }
0x13c: {  	v5 =	vshll.u32 v5, $0xA  }
0x13d: {  	v5 =	vor.u32 v6, v5;
	_ =	sdelay $0x4  }
0x13e: {  	[tilespmem:v5+s7+$0x0] =	vst.idx.msk $0xffff, v1  }
0x13f: {  	v5 =	vld [tilespmem:$0x50]  }
0x140: {  	v0 =	vld [tilespmem:$0x1FFD0];
	_ =	sdelay $0x3  }
0x141: {  	v5 =	vshll.u32 v5, $0xA  }
0x142: {  	v5 =	vor.u32 v0, v5;
	_ =	sdelay $0x4  }
0x143: {  	[tilespmem:v5+s7+$0x0] =	vst.idx.msk $0xffff, v1  }
0x144: {  	v5 =	vld [tilespmem:$0x60];
	_ =	sdelay $0x4  }
0x145: {  	v5 =	vshll.u32 v5, $0xA  }
0x146: {  	v5 =	vor.u32 v10, v5;
	_ =	sdelay $0x4  }
0x147: {  	[tilespmem:v5+s7+$0x0] =	vst.idx.msk $0xffff, v1  }
0x148: {  	v5 =	vld [tilespmem:$0x70];
	_ =	sdelay $0x4  }
0x149: {  	v5 =	vshll.u32 v5, $0xA  }
0x14a: {  	v5 =	vor.u32 v11, v5;
	_ =	sdelay $0x4  }
0x14b: {  	[tilespmem:v5+s7+$0x0] =	vst.idx.msk $0xffff, v1  }
0x14c: {  	v5 =	vld [tilespmem:$0x80];
	_ =	sdelay $0x4  }
0x14d: {  	v5 =	vshll.u32 v5, $0xA  }
0x14e: {  	v5 =	vor.u32 v12, v5;
	_ =	sdelay $0x4  }
0x14f: {  	[tilespmem:v5+s7+$0x0] =	vst.idx.msk $0xffff, v1  }
0x150: {  	v5 =	vld [tilespmem:$0x90];
	_ =	sdelay $0x4  }
0x151: {  	v5 =	vshll.u32 v5, $0xA  }
0x152: {  	v5 =	vor.u32 v13, v5;
	_ =	sdelay $0x4  }
0x153: {  	[tilespmem:v5+s7+$0x0] =	vst.idx.msk $0xffff, v1  }
0x154: {  	v5 =	vld [tilespmem:$0xA0];
	_ =	sdelay $0x4  }
0x155: {  	v5 =	vshll.u32 v5, $0xA  }
0x156: {  	v5 =	vor.u32 v14, v5;
	_ =	sdelay $0x4  }
0x157: {  	[tilespmem:v5+s7+$0x0] =	vst.idx.msk $0xffff, v1  }
0x158: {  	v5 =	vld [tilespmem:$0xB0];
	_ =	sdelay $0x4  }
0x159: {  	v5 =	vshll.u32 v5, $0xA  }
0x15a: {  	v5 =	vor.u32 v15, v5;
	_ =	sdelay $0x4  }
0x15b: {  	[tilespmem:v5+s7+$0x0] =	vst.idx.msk $0xffff, v1  }
0x15c: {  	v5 =	vld [tilespmem:$0xC0];
	_ =	sdelay $0x4  }
0x15d: {  	v5 =	vshll.u32 v5, $0xA  }
0x15e: {  	v5 =	vor.u32 v16, v5;
	_ =	sdelay $0x4  }
0x15f: {  	[tilespmem:v5+s7+$0x0] =	vst.idx.msk $0xffff, v1  }
0x160: {  	v5 =	vld [tilespmem:$0xD0];
	_ =	sdelay $0x4  }
0x161: {  	v5 =	vshll.u32 v5, $0xA  }
0x162: {  	v5 =	vor.u32 v17, v5;
	_ =	sdelay $0x4  }
0x163: {  	[tilespmem:v5+s7+$0x0] =	vst.idx.msk $0xffff, v1  }
0x164: {  	v5 =	vld [tilespmem:$0xE0];
	_ =	sdelay $0x4  }
0x165: {  	v5 =	vshll.u32 v5, $0xA  }
0x166: {  	v5 =	vor.u32 v18, v5;
	_ =	sdelay $0x4  }
0x167: {  	[tilespmem:v5+s7+$0x0] =	vst.idx.msk $0xffff, v1  }
0x168: {  	v5 =	vld [tilespmem:$0xF0];
	_ =	sdelay $0x4  }
0x169: {  	v5 =	vshll.u32 v5, $0xA  }
0x16a: {  	v5 =	vor.u32 v19, v5;
	_ =	sdelay $0x4  }
0x16b: {  	[tilespmem:v5+s7+$0x0] =	vst.idx.msk $0xffff, v1  }
0x16c: {  	v5 =	vld [tilespmem:$0x100];
	_ =	sdelay $0x4  }
0x16d: {  	v5 =	vshll.u32 v5, $0xA  }
0x16e: {  	v5 =	vor.u32 v20, v5;
	_ =	sdelay $0x4  }
0x16f: {  	[tilespmem:v5+s7+$0x0] =	vst.idx.msk $0xffff, v1  }
0x170: {  	v5 =	vld [tilespmem:$0x110];
	_ =	sdelay $0x4  }
0x171: {  	v5 =	vshll.u32 v5, $0xA  }
0x172: {  	v5 =	vor.u32 v21, v5;
	_ =	sdelay $0x4  }
0x173: {  	[tilespmem:v5+s7+$0x0] =	vst.idx.msk $0xffff, v1  }
0x174: {  	v5 =	vld [tilespmem:$0x120];
	_ =	sdelay $0x4  }
0x175: {  	v5 =	vshll.u32 v5, $0xA  }
0x176: {  	v5 =	vor.u32 v22, v5;
	_ =	sdelay $0x4  }
0x177: {  	[tilespmem:v5+s7+$0x0] =	vst.idx.msk $0xffff, v1  }
0x178: {  	v5 =	vld [tilespmem:$0x130];
	_ =	sdelay $0x4  }
0x179: {  	v5 =	vshll.u32 v5, $0xA  }
0x17a: {  	v5 =	vor.u32 v23, v5;
	_ =	sdelay $0x4  }
0x17b: {  	[tilespmem:v5+s7+$0x0] =	vst.idx.msk $0xffff, v1  }
0x17c: {  	v5 =	vld [tilespmem:$0x140];
	_ =	sdelay $0x4  }
0x17d: {  	v5 =	vshll.u32 v5, $0xA  }
0x17e: {  	v5 =	vor.u32 v24, v5;
	_ =	sdelay $0x4  }
0x17f: {  	[tilespmem:v5+s7+$0x0] =	vst.idx.msk $0xffff, v1  }
0x180: {  	v5 =	vld [tilespmem:$0x150];
	_ =	sdelay $0x4  }
0x181: {  	v5 =	vshll.u32 v5, $0xA  }
0x182: {  	v5 =	vor.u32 v25, v5;
	_ =	sdelay $0x4  }
0x183: {  	[tilespmem:v5+s7+$0x0] =	vst.idx.msk $0xffff, v1  }
0x184: {  	v5 =	vld [tilespmem:$0x160];
	_ =	sdelay $0x4  }
0x185: {  	v5 =	vshll.u32 v5, $0xA  }
0x186: {  	v5 =	vor.u32 v26, v5;
	_ =	sdelay $0x4  }
0x187: {  	[tilespmem:v5+s7+$0x0] =	vst.idx.msk $0xffff, v1  }
0x188: {  	v5 =	vld [tilespmem:$0x170];
	_ =	sdelay $0x4  }
0x189: {  	v5 =	vshll.u32 v5, $0xA  }
0x18a: {  	v5 =	vor.u32 v27, v5;
	_ =	sdelay $0x4  }
0x18b: {  	[tilespmem:v5+s7+$0x0] =	vst.idx.msk $0xffff, v1  }
0x18c: {  	v5 =	vld [tilespmem:$0x180];
	_ =	sdelay $0x4  }
0x18d: {  	v5 =	vshll.u32 v5, $0xA  }
0x18e: {  	v5 =	vor.u32 v28, v5;
	_ =	sdelay $0x4  }
0x18f: {  	[tilespmem:v5+s7+$0x0] =	vst.idx.msk $0xffff, v1  }
0x190: {  	v5 =	vld [tilespmem:$0x190];
	_ =	sdelay $0x4  }
0x191: {  	v5 =	vshll.u32 v5, $0xA  }
0x192: {  	v5 =	vor.u32 v29, v5;
	_ =	sdelay $0x4  }
0x193: {  	[tilespmem:v5+s7+$0x0] =	vst.idx.msk $0xffff, v1  }
0x194: {  	v5 =	vld [tilespmem:$0x1A0];
	_ =	sdelay $0x4  }
0x195: {  	v5 =	vshll.u32 v5, $0xA  }
0x196: {  	v5 =	vor.u32 v30, v5;
	_ =	sdelay $0x4  }
0x197: {  	[tilespmem:v5+s7+$0x0] =	vst.idx.msk $0xffff, v1  }
0x198: {  	v5 =	vld [tilespmem:$0x1B0];
	_ =	sdelay $0x4  }
0x199: {  	v5 =	vshll.u32 v5, $0xA  }
0x19a: {  	v5 =	vor.u32 v31, v5;
	_ =	sdelay $0x4  }
0x19b: {  	[tilespmem:v5+s7+$0x0] =	vst.idx.msk $0xffff, v1  }
0x19c: {  	v5 =	vld [tilespmem:$0x1C0];
	_ =	sdelay $0x4  }
0x19d: {  	v5 =	vshll.u32 v5, $0xA  }
0x19e: {  	v5 =	vor.u32 v32, v5;
	_ =	sdelay $0x4  }
0x19f: {  	[tilespmem:v5+s7+$0x0] =	vst.idx.msk $0xffff, v1  }
0x1a0: {  	v5 =	vld [tilespmem:$0x1D0];
	_ =	sdelay $0x4  }
0x1a1: {  	v5 =	vshll.u32 v5, $0xA  }
0x1a2: {  	v5 =	vor.u32 v33, v5;
	_ =	sdelay $0x4  }
0x1a3: {  	[tilespmem:v5+s7+$0x0] =	vst.idx.msk $0xffff, v1  }
0x1a4: {  	v5 =	vld [tilespmem:$0x1E0];
	_ =	sdelay $0x4  }
0x1a5: {  	v5 =	vshll.u32 v5, $0xA  }
0x1a6: {  	v5 =	vor.u32 v34, v5;
	_ =	sdelay $0x4  }
0x1a7: {  	[tilespmem:v5+s7+$0x0] =	vst.idx.msk $0xffff, v1  }
0x1a8: {  	v5 =	vld [tilespmem:$0x1F0];
	_ =	sdelay $0x4  }
0x1a9: {  	v5 =	vshll.u32 v5, $0xA  }
0x1aa: {  	v5 =	vor.u32 v35, v5;
	_ =	sdelay $0x4  }
0x1ab: {  	[tilespmem:v5+s7+$0x0] =	vst.idx.msk $0xffff, v1  }
0x1ac: {  	v5 =	vld [tilespmem:$0x200];
	_ =	sdelay $0x4  }
0x1ad: {  	v5 =	vshll.u32 v5, $0xA  }
0x1ae: {  	v5 =	vor.u32 v36, v5;
	_ =	sdelay $0x4  }
0x1af: {  	[tilespmem:v5+s7+$0x0] =	vst.idx.msk $0xffff, v1  }
0x1b0: {  	v5 =	vld [tilespmem:$0x210];
	_ =	sdelay $0x4  }
0x1b1: {  	v5 =	vshll.u32 v5, $0xA  }
0x1b2: {  	v5 =	vor.u32 v37, v5;
	_ =	sdelay $0x4  }
0x1b3: {  	[tilespmem:v5+s7+$0x0] =	vst.idx.msk $0xffff, v1  }
0x1b4: {  	v5 =	vld [tilespmem:$0x220];
	_ =	sdelay $0x4  }
0x1b5: {  	v5 =	vshll.u32 v5, $0xA  }
0x1b6: {  	v5 =	vor.u32 v38, v5;
	_ =	sdelay $0x4  }
0x1b7: {  	[tilespmem:v5+s7+$0x0] =	vst.idx.msk $0xffff, v1  }
0x1b8: {  	v5 =	vld [tilespmem:$0x230];
	_ =	sdelay $0x4  }
0x1b9: {  	v5 =	vshll.u32 v5, $0xA  }
0x1ba: {  	v5 =	vor.u32 v39, v5;
	_ =	sdelay $0x4  }
0x1bb: {  	[tilespmem:v5+s7+$0x0] =	vst.idx.msk $0xffff, v1  }
0x1bc: {  	v5 =	vld [tilespmem:$0x240];
	_ =	sdelay $0x4  }
0x1bd: {  	v5 =	vshll.u32 v5, $0xA  }
0x1be: {  	v5 =	vor.u32 v40, v5;
	_ =	sdelay $0x4  }
0x1bf: {  	[tilespmem:v5+s7+$0x0] =	vst.idx.msk $0xffff, v1  }
0x1c0: {  	v5 =	vld [tilespmem:$0x250];
	_ =	sdelay $0x4  }
0x1c1: {  	v5 =	vshll.u32 v5, $0xA  }
0x1c2: {  	v5 =	vor.u32 v41, v5;
	_ =	sdelay $0x4  }
0x1c3: {  	[tilespmem:v5+s7+$0x0] =	vst.idx.msk $0xffff, v1  }
0x1c4: {  	v5 =	vld [tilespmem:$0x260];
	_ =	sdelay $0x4  }
0x1c5: {  	v5 =	vshll.u32 v5, $0xA  }
0x1c6: {  	v5 =	vor.u32 v42, v5;
	_ =	sdelay $0x4  }
0x1c7: {  	[tilespmem:v5+s7+$0x0] =	vst.idx.msk $0xffff, v1  }
0x1c8: {  	v5 =	vld [tilespmem:$0x270];
	_ =	sdelay $0x4  }
0x1c9: {  	v5 =	vshll.u32 v5, $0xA  }
0x1ca: {  	v5 =	vor.u32 v43, v5;
	_ =	sdelay $0x4  }
0x1cb: {  	[tilespmem:v5+s7+$0x0] =	vst.idx.msk $0xffff, v1  }
0x1cc: {  	v5 =	vld [tilespmem:$0x280];
	_ =	sdelay $0x4  }
0x1cd: {  	v5 =	vshll.u32 v5, $0xA  }
0x1ce: {  	v5 =	vor.u32 v44, v5;
	_ =	sdelay $0x4  }
0x1cf: {  	[tilespmem:v5+s7+$0x0] =	vst.idx.msk $0xffff, v1  }
0x1d0: {  	v5 =	vld [tilespmem:$0x290];
	_ =	sdelay $0x4  }
0x1d1: {  	v5 =	vshll.u32 v5, $0xA  }
0x1d2: {  	v5 =	vor.u32 v45, v5;
	_ =	sdelay $0x4  }
0x1d3: {  	[tilespmem:v5+s7+$0x0] =	vst.idx.msk $0xffff, v1  }
0x1d4: {  	v5 =	vld [tilespmem:$0x2A0];
	_ =	sdelay $0x4  }
0x1d5: {  	v5 =	vshll.u32 v5, $0xA  }
0x1d6: {  	v5 =	vor.u32 v46, v5;
	_ =	sdelay $0x4  }
0x1d7: {  	[tilespmem:v5+s7+$0x0] =	vst.idx.msk $0xffff, v1  }
0x1d8: {  	v5 =	vld [tilespmem:$0x2B0];
	_ =	sdelay $0x4  }
0x1d9: {  	v5 =	vshll.u32 v5, $0xA  }
0x1da: {  	v5 =	vor.u32 v47, v5;
	_ =	sdelay $0x4  }
0x1db: {  	[tilespmem:v5+s7+$0x0] =	vst.idx.msk $0xffff, v1  }
0x1dc: {  	v5 =	vld [tilespmem:$0x2C0];
	_ =	sdelay $0x4  }
0x1dd: {  	v5 =	vshll.u32 v5, $0xA  }
0x1de: {  	v5 =	vor.u32 v48, v5;
	_ =	sdelay $0x4  }
0x1df: {  	[tilespmem:v5+s7+$0x0] =	vst.idx.msk $0xffff, v1  }
0x1e0: {  	v5 =	vld [tilespmem:$0x2D0];
	_ =	sdelay $0x4  }
0x1e1: {  	v5 =	vshll.u32 v5, $0xA  }
0x1e2: {  	v5 =	vor.u32 v49, v5;
	_ =	sdelay $0x4  }
0x1e3: {  	[tilespmem:v5+s7+$0x0] =	vst.idx.msk $0xffff, v1  }
0x1e4: {  	v5 =	vld [tilespmem:$0x2E0];
	_ =	sdelay $0x4  }
0x1e5: {  	v5 =	vshll.u32 v5, $0xA  }
0x1e6: {  	v5 =	vor.u32 v50, v5;
	_ =	sdelay $0x4  }
0x1e7: {  	[tilespmem:v5+s7+$0x0] =	vst.idx.msk $0xffff, v1  }
0x1e8: {  	v5 =	vld [tilespmem:$0x2F0];
	_ =	sdelay $0x4  }
0x1e9: {  	v5 =	vshll.u32 v5, $0xA  }
0x1ea: {  	v5 =	vor.u32 v51, v5;
	_ =	sdelay $0x4  }
0x1eb: {  	[tilespmem:v5+s7+$0x0] =	vst.idx.msk $0xffff, v1  }
0x1ec: {  	v5 =	vld [tilespmem:$0x300];
	_ =	sdelay $0x4  }
0x1ed: {  	v5 =	vshll.u32 v5, $0xA  }
0x1ee: {  	v5 =	vor.u32 v52, v5;
	_ =	sdelay $0x4  }
0x1ef: {  	[tilespmem:v5+s7+$0x0] =	vst.idx.msk $0xffff, v1  }
0x1f0: {  	v5 =	vld [tilespmem:$0x310];
	_ =	sdelay $0x4  }
0x1f1: {  	v5 =	vshll.u32 v5, $0xA  }
0x1f2: {  	v5 =	vor.u32 v53, v5;
	_ =	sdelay $0x4  }
0x1f3: {  	[tilespmem:v5+s7+$0x0] =	vst.idx.msk $0xffff, v1  }
0x1f4: {  	v5 =	vld [tilespmem:$0x320];
	_ =	sdelay $0x4  }
0x1f5: {  	v5 =	vshll.u32 v5, $0xA  }
0x1f6: {  	v5 =	vor.u32 v54, v5;
	_ =	sdelay $0x4  }
0x1f7: {  	[tilespmem:v5+s7+$0x0] =	vst.idx.msk $0xffff, v1  }
0x1f8: {  	v5 =	vld [tilespmem:$0x330];
	_ =	sdelay $0x4  }
0x1f9: {  	v5 =	vshll.u32 v5, $0xA  }
0x1fa: {  	v5 =	vor.u32 v55, v5;
	_ =	sdelay $0x4  }
0x1fb: {  	[tilespmem:v5+s7+$0x0] =	vst.idx.msk $0xffff, v1  }
0x1fc: {  	v5 =	vld [tilespmem:$0x340];
	_ =	sdelay $0x4  }
0x1fd: {  	v5 =	vshll.u32 v5, $0xA  }
0x1fe: {  	v5 =	vor.u32 v56, v5;
	_ =	sdelay $0x4  }
0x1ff: {  	[tilespmem:v5+s7+$0x0] =	vst.idx.msk $0xffff, v1  }
0x200: {  	v5 =	vld [tilespmem:$0x350];
	_ =	sdelay $0x4  }
0x201: {  	v5 =	vshll.u32 v5, $0xA  }
0x202: {  	v5 =	vor.u32 v57, v5;
	_ =	sdelay $0x4  }
0x203: {  	[tilespmem:v5+s7+$0x0] =	vst.idx.msk $0xffff, v1  }
0x204: {  	v5 =	vld [tilespmem:$0x360];
	_ =	sdelay $0x4  }
0x205: {  	v5 =	vshll.u32 v5, $0xA  }
0x206: {  	v5 =	vor.u32 v58, v5;
	_ =	sdelay $0x4  }
0x207: {  	[tilespmem:v5+s7+$0x0] =	vst.idx.msk $0xffff, v1  }
0x208: {  	v5 =	vld [tilespmem:$0x370];
	_ =	sdelay $0x4  }
0x209: {  	v5 =	vshll.u32 v5, $0xA  }
0x20a: {  	v5 =	vor.u32 v59, v5;
	_ =	sdelay $0x4  }
0x20b: {  	[tilespmem:v5+s7+$0x0] =	vst.idx.msk $0xffff, v1  }
0x20c: {  	v5 =	vld [tilespmem:$0x380];
	_ =	sdelay $0x4  }
0x20d: {  	v5 =	vshll.u32 v5, $0xA  }
0x20e: {  	v5 =	vor.u32 v60, v5;
	_ =	sdelay $0x4  }
0x20f: {  	[tilespmem:v5+s7+$0x0] =	vst.idx.msk $0xffff, v1  }
0x210: {  	v5 =	vld [tilespmem:$0x390];
	_ =	sdelay $0x4  }
0x211: {  	v5 =	vshll.u32 v5, $0xA  }
0x212: {  	v5 =	vor.u32 v61, v5;
	_ =	sdelay $0x4  }
0x213: {  	[tilespmem:v5+s7+$0x0] =	vst.idx.msk $0xffff, v1  }
0x214: {  	v5 =	vld [tilespmem:$0x3A0];
	_ =	sdelay $0x4  }
0x215: {  	v5 =	vshll.u32 v5, $0xA  }
0x216: {  	v5 =	vor.u32 v62, v5;
	_ =	sdelay $0x4  }
0x217: {  	[tilespmem:v5+s7+$0x0] =	vst.idx.msk $0xffff, v1  }
0x218: {  	v5 =	vld [tilespmem:$0x3B0];
	_ =	sdelay $0x4  }
0x219: {  	v5 =	vshll.u32 v5, $0xA  }
0x21a: {  	v5 =	vor.u32 v63, v5;
	_ =	sdelay $0x4  }
0x21b: {  	[tilespmem:v5+s7+$0x0] =	vst.idx.msk $0xffff, v1  }
0x21c: {  	v5 =	vld [tilespmem:$0x3C0];
	_ =	sdelay $0x4  }
0x21d: {  	v5 =	vshll.u32 v5, $0xA  }
0x21e: {  	v5 =	vor.u32 v9, v5;
	_ =	sdelay $0x4  }
0x21f: {  	[tilespmem:v5+s7+$0x0] =	vst.idx.msk $0xffff, v1  }
0x220: {  	v5 =	vld [tilespmem:$0x3D0];
	_ =	sdelay $0x4  }
0x221: {  	v5 =	vshll.u32 v5, $0xA  }
0x222: {  	v5 =	vor.u32 v8, v5;
	_ =	sdelay $0x4  }
0x223: {  	[tilespmem:v5+s7+$0x0] =	vst.idx.msk $0xffff, v1  }
0x224: {  	v5 =	vld [tilespmem:$0x3E0];
	_ =	sdelay $0x4  }
0x225: {  	v5 =	vshll.u32 v5, $0xA  }
0x226: {  	v3 =	vor.u32 v3, v5;
	_ =	sdelay $0x4  }
0x227: {  	[tilespmem:v3+s7+$0x0] =	vst.idx.msk $0xffff, v1  }
0x228: {  	v3 =	vld [tilespmem:$0x3F0];
	_ =	sdelay $0x4  }
0x229: {  	v3 =	vshll.u32 v3, $0xA  }
0x22a: {  	p0 =	sne.s32 s10, $0x780;
	v3 =	vor.u32 v4, v3  }
.Ltmp1:
0x22b: {  	_ = 	snop;
	(pc) =	sbr.rel @p0 .LBB2_4-.Ltmp1, $4  }
0x22c: {  	_ = 	snop  }
0x22d: {  	v8 =	vld [tilespmem:$0x1FFD0]  }
0x22e: {  	v5 =	vmov v7;
	v7 =	vmov v6;
	v6 =	vld [tilespmem:$0x1FFE0]  }
0x22f: {  	s10 =	sadd.s32 $0x80, s10;
	v0 =	vlaneseq.u32;
	v4 =	vld [tilespmem:$0x1FFF0];
	[tilespmem:v3+s7+$0x0] =	vst.idx.msk $0xffff, v1  }
0x230: {  	s9 =	sadd.s32 $0x1, s9  }
0x231: {  	p0 =	sne.s32 s9, s3  }
.Ltmp2:
0x232: {  	_ = 	snop;
	(pc) =	sbr.rel @p0 .LBB2_1-.Ltmp2, $1  }
0x233: {  	_ =	sdelay $0x3  }
0x234: {  	_ =	sfence.sel $0x180000  }
0x235: {  	[bflag:$0x0] =	sbarrier.arrive $0xFFFF  }
0x236: {  	p0 =	sne.s32 s2, $0x0;
	_ =	strace $0x90000047  }
0x237: {  	s0 =	sadd.s32 @!p0 $0x100000, s0;
	[bflag:$0x2] =	sbarrier.arrive $0xFFFF  }
0x238: {  	[sflag:s0] =	ssyncadd.tile.s32 @!p0 $0x1;
	_ =	shalt  }
.Lfunc_end2:
_tile_overlayer_lowered:
.L_overlay_start_2:
0x239: {  	(tag) =	ssettag $0x2  }
0x23a: {  	s0 =	rddreg [dreg:$0x0];
	s2 =	stileid.u32  }
0x23b: {  	s1 =	rddreg [dreg:$0x1];
	p0 =	sne.s32 s2, $0x0  }
0x23c: {  	s3 =	rddreg [dreg:$0x2];
	[bflag:$0x3] =	sbarrier.arrive $0xFFFF;
	s2 =	simm.s32 @!p0 $0x1C01  }
0x23d: {  	[timem:s3], [sflag:s2] =	dma.local @!p0 [hbm:s0], s1  }
0x23e: {  	s0 =	simm.s32 @!p0 $0x1  }
0x23f: {  	_ =	swait.ge @!p0 [sflag:s0], s1  }
0x240: {  	s1 =	ssub.s32 @!p0 $0x0, s1;
	[sflag:s0] =	ssyncset.done @!p0 $0x0  }
0x241: {  	[sflag:s0] =	ssyncadd.s32 @!p0 s1  }
0x242: {  	[bflag:$0x3] =	sbarrier.arrive $0xFFFF  }
0x243: {  	_ =	shalt  }

</sc_bundles>
